<compile_context>
chip_gen: v7x
topology: tpu7x:2x2x1
jax: 0.10.2.dev20260603
libtpu: 0.0.44.dev20260713+nightly
codegen_flags: <defaults>
</compile_context>

<pallas_src>
import functools

import jax
import jax.numpy as jnp
from jax import lax
from jax.experimental import pallas as pl
from jax.experimental.pallas import tpu as pltpu
from jax.experimental.pallas import tpu_sc as plsc

_EPS = 1e-8

_NC = 2
_NS = 16
_NW = _NC * _NS
_CHUNK = 128


def _tc1_body(x_ref, w0t_ref, b0_ref, wmt_ref, bm_ref, hm_ref, h8_ref):
    x = x_ref[...]
    h = jnp.dot(x, w0t_ref[...], preferred_element_type=jnp.float32) + b0_ref[...]
    n = jnp.sqrt(jnp.sum(h * h, axis=1, keepdims=True)) + _EPS
    h = h / n
    hm_ref[...] = (jnp.dot(h, wmt_ref[...], preferred_element_type=jnp.float32)
                   + bm_ref[...])

    @pl.when(pl.program_id(0) == 0)
    def _():
        h8_ref[...] = h[0:8, :]


def _pair_gram(v4):
    return lax.dot_general(v4, v4, (((1,), (1,)), ((), ())),
                           preferred_element_type=jnp.float32)


def _cross_ratio_from_gram(G):
    def q(i, j):
        return 1.0 - (G[i, j] * G[i, j]) / (G[i, i] * G[j, j] + _EPS)

    return (q(0, 2) * q(1, 3)) / (q(0, 3) * q(1, 2) + _EPS)


def _tc2_body(p0_ref, p1_ref, hd0_ref, hd1_ref, h8_ref, w1t_ref, b1_ref,
              o_ref):
    ah = hd0_ref[0] + hd1_ref[0]
    nh = jnp.sqrt(jnp.sum(ah * ah, axis=1, keepdims=True)) + _EPS
    h2h = ah / nh
    cr_i = _cross_ratio_from_gram(_pair_gram(h8_ref[0:4, :]))
    cr_c = _cross_ratio_from_gram(_pair_gram(h2h[0:4, :]))
    ratio = cr_i / (cr_c + _EPS)
    valid = ((jnp.abs(cr_c) > _EPS) & (jnp.abs(cr_i) > _EPS) & (ratio > _EPS)
             & jnp.isfinite(ratio))
    scale = jnp.where(valid, jnp.exp(0.25 * jnp.log(jnp.abs(ratio))), 1.0)

    a = p0_ref[0] + p1_ref[0]
    na = jnp.sqrt(jnp.sum(a * a, axis=1, keepdims=True))
    u = jnp.dot(a, w1t_ref[...], preferred_element_type=jnp.float32) + b1_ref[...]
    no = jnp.sqrt(jnp.sum(u * u, axis=1, keepdims=True)) + (_EPS / scale) * na + 1e-30
    o_ref[...] = jnp.maximum(u / no, 0.0)


_GRP = 8


def _sc_body(NCH, CH, N8, hm_hbm, srcs_hbm, dsts_hbm, part_hbm,
             feat_sh, srcg, dst_v, rows0, rows1, g0, g1, i0, i1):
    rows = [rows0, rows1]
    gsem = [g0, g1]
    isem = [i0, i1]
    NG = NCH // _GRP
    c = lax.axis_index("c")
    s = lax.axis_index("s")
    wid = s * _NC + c
    rpt = N8 // _NS
    r0 = s * rpt

    def zbody(i, carry):
        for k in range(rows0.shape[1] // 16):
            rows0[i, pl.ds(16 * k, 16)] = jnp.zeros((16,), jnp.float32)
        return carry

    lax.fori_loop(0, rows0.shape[0], zbody, 0)
    ZB = 120
    off = 0
    while off < rpt:
        step = min(ZB, rpt - off)
        pltpu.sync_copy(rows0.at[pl.ds(0, step)],
                        feat_sh.at[pl.ds(r0 + off, step)])
        off += step
    plsc.subcore_barrier()

    base = wid * NCH
    pltpu.sync_copy(dsts_hbm.at[pl.ds(base, NCH)], dst_v)

    def load_src(g, p):
        pltpu.async_copy(srcs_hbm.at[pl.ds(base + g * _GRP, _GRP)],
                         srcg.at[p], isem[p])

    def wait_src(p):
        pltpu.make_async_copy(srcs_hbm.at[pl.ds(0, _GRP)], srcg.at[p],
                              isem[p]).wait()

    load_src(0, 0)
    wait_src(0)
    load_src(1, 1)
    for b in range(2):
        pltpu.async_copy(hm_hbm.at[srcg.at[0, b]], rows[b], gsem[b])

    def body(i, carry):
      for p in range(2):
        g = 2 * i + p
        for k in range(_GRP):
            b = k % 2
            j = g * _GRP + k
            pltpu.make_async_copy(hm_hbm.at[srcg.at[p, k]], rows[b],
                                  gsem[b]).wait()
            pltpu.sync_copy(rows[b], feat_sh.at[dst_v.at[j]], add=True)
            if k == _GRP - 2:
                @pl.when(g + 1 < NG)
                def _():
                    wait_src(1 - p)

            if k == _GRP - 1:
                @pl.when(g + 2 < NG)
                def _():
                    load_src(g + 2, p)

            if k < _GRP - 2:
                pltpu.async_copy(hm_hbm.at[srcg.at[p, k + 2]], rows[b],
                                 gsem[b])
            else:
                kn = k + 2 - _GRP

                @pl.when(g + 1 < NG)
                def _():
                    pltpu.async_copy(hm_hbm.at[srcg.at[1 - p, kn]], rows[b],
                                     gsem[b])

                @pl.when(g + 1 >= NG)
                def _():
                    pltpu.async_copy(hm_hbm.at[srcg.at[p, k]], rows[b],
                                     gsem[b])
      return carry

    lax.fori_loop(0, NG // 2, body, 0)
    for b in range(2):
        pltpu.make_async_copy(hm_hbm.at[srcg.at[0, 0]], rows[b],
                              gsem[b]).wait()
    plsc.subcore_barrier()

    pltpu.sync_copy(feat_sh.at[pl.ds(r0, rpt)], part_hbm.at[c, pl.ds(r0, rpt)])


def kernel(x, edge_index, W0, b0, Wm, bm, W1, b1):
    N, D = x.shape
    E = edge_index.shape[1]

    B1 = 1000
    grid1 = N // B1
    w0t = W0.T
    wmt = Wm.T
    w1t = W1.T
    b0r = b0.reshape(1, D)
    bmr = bm.reshape(1, D)
    b1r = b1.reshape(1, D)

    hm, h8 = pl.pallas_call(
        _tc1_body,
        grid=(grid1,),
        in_specs=[
            pl.BlockSpec((B1, D), lambda i: (i, 0)),
            pl.BlockSpec((D, D), lambda i: (0, 0)),
            pl.BlockSpec((1, D), lambda i: (0, 0)),
            pl.BlockSpec((D, D), lambda i: (0, 0)),
            pl.BlockSpec((1, D), lambda i: (0, 0)),
        ],
        out_specs=[
            pl.BlockSpec((B1, D), lambda i: (i, 0)),
            pl.BlockSpec((8, D), lambda i: (0, 0)),
        ],
        out_shape=[
            jax.ShapeDtypeStruct((N, D), jnp.float32),
            jax.ShapeDtypeStruct((8, D), jnp.float32),
        ],
    )(x, w0t, b0r, wmt, bmr)

    CH = None
    nch0 = 16 * (-(-E // (_NW * 128 * 16)))
    for nch in range(nch0, 4 * nch0 + 16, 16):
        if E % (_NW * nch) == 0 and E // (_NW * nch) <= 128:
            NCH = nch
            CH = E // (_NW * nch)
            break
    if CH is not None:
        srcs = edge_index[0].reshape(_NW * NCH, CH)
        dsts = edge_index[1].reshape(_NW * NCH, CH)
        n_extra = 0
    else:
        CH = _CHUNK
        EW = -(-E // _NW)
        flat_pad = _NW * EW - E
        src = jnp.concatenate(
            [edge_index[0], jnp.zeros((flat_pad,), jnp.int32)])
        dst = jnp.concatenate(
            [edge_index[1], jnp.full((flat_pad,), N, jnp.int32)])
        NCH = 16 * (-(-EW // (CH * 16)))
        wpad = NCH * CH - EW
        src = jnp.concatenate(
            [src.reshape(_NW, EW), jnp.zeros((_NW, wpad), jnp.int32)], axis=1)
        trash = N + jnp.arange(_NW, dtype=jnp.int32)
        dst = jnp.concatenate(
            [dst.reshape(_NW, EW),
             jnp.broadcast_to(trash[:, None], (_NW, wpad))], axis=1)
        srcs = src.reshape(_NW * NCH, CH)
        dsts = dst.reshape(_NW * NCH, CH)
        n_extra = _NW
    N8 = 128 * (-(-(N + max(1, n_extra)) // 128))

    mesh = plsc.VectorSubcoreMesh(core_axis_name="c", subcore_axis_name="s",
                                  num_cores=_NC, num_subcores=_NS)
    part = pl.kernel(
        functools.partial(_sc_body, NCH, CH, N8),
        out_type=jax.ShapeDtypeStruct((_NC, N8, D), jnp.float32),
        mesh=mesh,
        scratch_types=[
            pltpu.VMEM_SHARED((N8, D), jnp.float32),
            pltpu.VMEM((2, _GRP, CH), jnp.int32),
            pltpu.VMEM((NCH, CH), jnp.int32),
            pltpu.VMEM((CH, D), jnp.float32),
            pltpu.VMEM((CH, D), jnp.float32),
        ] + [pltpu.SemaphoreType.DMA] * 4,
    )(hm, srcs, dsts)

    B2 = 1000
    grid2 = N // B2

    out = pl.pallas_call(
        _tc2_body,
        grid=(grid2,),
        in_specs=[
            pl.BlockSpec((1, B2, D), lambda i: (0, i, 0)),
            pl.BlockSpec((1, B2, D), lambda i: (1, i, 0)),
            pl.BlockSpec((1, 8, D), lambda i: (0, 0, 0)),
            pl.BlockSpec((1, 8, D), lambda i: (1, 0, 0)),
            pl.BlockSpec((8, D), lambda i: (0, 0)),
            pl.BlockSpec((D, D), lambda i: (0, 0)),
            pl.BlockSpec((1, D), lambda i: (0, 0)),
        ],
        out_specs=pl.BlockSpec((B2, D), lambda i: (i, 0)),
        out_shape=jax.ShapeDtypeStruct((N, D), jnp.float32),
    )(part, part, part, part, h8, w1t, b1r)
    return out

# --- scband reference (transcript-rebuilt; emitter-appended) ---
"""Pipeline reference for scband-hgcn-73203422593575 (READ-ONLY COPY).

The authoritative reference and input builder live on the scoring server;
editing this copy changes nothing except your own understanding.
"""

import jax, jax.numpy as jnp
import numpy as np

N = 10000
E = 320000
D = 128


def _proj_normalize(y, eps=1e-8):
    # projective normalization to keep points on the hyperbolic model
    return y / (jnp.linalg.norm(y, axis=-1, keepdims=True) + eps)


def _hyp_linear(x, W, b):
    # HyperbolicLinear: Euclidean affine map followed by projective re-normalization
    return _proj_normalize(x @ W.T + b)


def _quadrance(a, b, eps=1e-8):
    num = jnp.dot(a, b) ** 2
    den = jnp.dot(a, a) * jnp.dot(b, b) + eps
    return 1.0 - num / den


def _cross_ratio(p0, p1, p2, p3, eps=1e-8):
    return (_quadrance(p0, p2) * _quadrance(p1, p3)) / (
        _quadrance(p0, p3) * _quadrance(p1, p2) + eps
    )


def setup_inputs(seed: int = 0) -> dict:
    key = jax.random.key(seed)
    ks = jax.random.split(key, 8)
    x = jax.random.normal(ks[0], (N, D), dtype=jnp.float32)
    edge_index = jax.random.randint(ks[1], (2, E), 0, N, dtype=jnp.int32)
    s = 1.0 / np.sqrt(D)
    W0 = jax.random.normal(ks[2], (D, D), dtype=jnp.float32) * s
    b0 = jnp.zeros((D,), dtype=jnp.float32)
    Wm = jax.random.normal(ks[3], (D, D), dtype=jnp.float32) * s
    bm = jnp.zeros((D,), dtype=jnp.float32)
    W1 = jax.random.normal(ks[4], (D, D), dtype=jnp.float32) * s
    b1 = jnp.zeros((D,), dtype=jnp.float32)
    return {"x": x, "edge_index": edge_index, "W0": W0, "b0": b0,
            "Wm": Wm, "bm": bm, "W1": W1, "b1": b1}


def reference(x, edge_index, W0, b0, Wm, bm, W1, b1):
    src = edge_index[0]
    dst = edge_index[1]
    # layer 0: hyperbolic linear
    h = _hyp_linear(x, W0, b0)
    # cross-ratio before message passing (N > 3)
    cr_i = _cross_ratio(h[0], h[1], h[2], h[3])
    # HyperbolicMessagePassing with mean aggregation:
    # gather source node states, transform, scatter-add to destination, mean
    msg = h[src] @ Wm.T + bm
    agg = jax.ops.segment_sum(msg, dst, num_segments=N)
    deg = jax.ops.segment_sum(jnp.ones((E,), dtype=jnp.float32), dst, num_segments=N)
    h = _proj_normalize(agg / jnp.maximum(deg, 1.0)[:, None])
    # cross-ratio restoration (guarded, mirrors the torch conditional logic)
    cr_c = _cross_ratio(h[0], h[1], h[2], h[3])
    eps = 1e-8
    ratio = cr_i / (cr_c + eps)
    valid = (jnp.abs(cr_c) > eps) & (jnp.abs(cr_i) > eps) & (ratio > eps) & jnp.isfinite(ratio)
    scale = jnp.where(valid, jnp.abs(ratio) ** 0.25, 1.0)
    h = h * scale
    # layer 1: hyperbolic linear + activation
    h = _hyp_linear(h, W1, b1)
    h = jax.nn.relu(h)
    return h

if __name__ == "__main__":
    import jax
    _d = setup_inputs()
    print(jax.jit(kernel)(*tuple(_d.values())))

</pallas_src>

<mosaic_0001>
#map = affine_map<(d0, d1) -> (0, 0)>
#map1 = affine_map<(d0, d1) -> (0, 0, 0)>
module attributes {stable_mosaic.version = 14 : i64} {
  func.func @_sc_body(%arg0: i32, %arg1: i32, %arg2: memref<10000x128xf32, #tpu.memory_space<hbm>>, %arg3: memref<2560x125xi32, #tpu.memory_space<hbm>>, %arg4: memref<2560x125xi32, #tpu.memory_space<hbm>>, %arg5: memref<2x10112x128xf32, #tpu.memory_space<hbm>>, %arg6: memref<10112x128xf32, #tpu.memory_space<vmem_shared>>, %arg7: memref<2x8x125xi32, #tpu.memory_space<vmem>>, %arg8: memref<80x125xi32, #tpu.memory_space<vmem>>, %arg9: memref<125x128xf32, #tpu.memory_space<vmem>>, %arg10: memref<125x128xf32, #tpu.memory_space<vmem>>, %arg11: memref<!tpu.dma_semaphore, #tpu.memory_space<semaphore_mem>>, %arg12: memref<!tpu.dma_semaphore, #tpu.memory_space<semaphore_mem>>, %arg13: memref<!tpu.dma_semaphore, #tpu.memory_space<semaphore_mem>>, %arg14: memref<!tpu.dma_semaphore, #tpu.memory_space<semaphore_mem>>) attributes {dimension_semantics = [#tpu.dimension_semantics<core_parallel>, #tpu.dimension_semantics<subcore_parallel>], iteration_bounds = array<i64: 2, 16>, scalar_prefetch = 0 : i64, scratch_operands = 9 : i64, tpu.core_type = #tpu.core_type<sc_vector_subcore>, window_params = [{transform_indices = #map}, {transform_indices = #map}, {transform_indices = #map}, {transform_indices = #map1}]} {
    %mul3A = arith.constant 2 : i32
    %mul3A_0 = arith.muli %arg1, %mul3A : i32
    %add3A = arith.addi %mul3A_0, %arg0 : i32
    %mul3A_1 = arith.constant 632 : i32
    %mul3A_2 = arith.muli %arg1, %mul3A_1 : i32
    %scan3A = arith.constant 0 : i32
    %scan3A_3 = arith.constant 0 : i32
    %scan3A_4 = arith.constant 125 : i32
    %scan3A_5 = arith.addi %scan3A_3, %scan3A_4 : i32
    %scan3A_6 = arith.constant 1 : i32
    scf.for %scan3A_104 = %scan3A_3 to %scan3A_5 step %scan3A_6  : i32 {
      %broadcast_in_dim3A = arith.constant 0.000000e+00 : f32
      %broadcast_in_dim3A_105 = vector.broadcast %broadcast_in_dim3A : f32 to vector<16xf32>
      %swap3A = arith.index_cast %scan3A_104 : i32 to index
      %swap3A_106 = arith.constant 0 : index
      %swap3A_107 = tpu.vector_load %arg9[%swap3A, %swap3A_106] {strides = array<i32>} : memref<125x128xf32, #tpu.memory_space<vmem>>, vector<1x16xf32>,
      %swap3A_108 = vector.shape_cast %swap3A_107 : vector<1x16xf32> to vector<16xf32>
      %swap3A_109 = vector.shape_cast %broadcast_in_dim3A_105 : vector<16xf32> to vector<1x16xf32>
      tpu.vector_store %arg9[%swap3A, %swap3A_106], %swap3A_109 {strides = array<i32>} : memref<125x128xf32, #tpu.memory_space<vmem>>, vector<1x16xf32>,
      %broadcast_in_dim3A_110 = arith.constant 0.000000e+00 : f32
      %broadcast_in_dim3A_111 = vector.broadcast %broadcast_in_dim3A_110 : f32 to vector<16xf32>
      %swap3A_112 = arith.index_cast %scan3A_104 : i32 to index
      %swap3A_113 = arith.constant 16 : index
      %swap3A_114 = tpu.vector_load %arg9[%swap3A_112, %swap3A_113] {strides = array<i32>} : memref<125x128xf32, #tpu.memory_space<vmem>>, vector<1x16xf32>,
      %swap3A_115 = vector.shape_cast %swap3A_114 : vector<1x16xf32> to vector<16xf32>
      %swap3A_116 = vector.shape_cast %broadcast_in_dim3A_111 : vector<16xf32> to vector<1x16xf32>
      tpu.vector_store %arg9[%swap3A_112, %swap3A_113], %swap3A_116 {strides = array<i32>} : memref<125x128xf32, #tpu.memory_space<vmem>>, vector<1x16xf32>,
      %broadcast_in_dim3A_117 = arith.constant 0.000000e+00 : f32
      %broadcast_in_dim3A_118 = vector.broadcast %broadcast_in_dim3A_117 : f32 to vector<16xf32>
      %swap3A_119 = arith.index_cast %scan3A_104 : i32 to index
      %swap3A_120 = arith.constant 32 : index
      %swap3A_121 = tpu.vector_load %arg9[%swap3A_119, %swap3A_120] {strides = array<i32>} : memref<125x128xf32, #tpu.memory_space<vmem>>, vector<1x16xf32>,
      %swap3A_122 = vector.shape_cast %swap3A_121 : vector<1x16xf32> to vector<16xf32>
      %swap3A_123 = vector.shape_cast %broadcast_in_dim3A_118 : vector<16xf32> to vector<1x16xf32>
      tpu.vector_store %arg9[%swap3A_119, %swap3A_120], %swap3A_123 {strides = array<i32>} : memref<125x128xf32, #tpu.memory_space<vmem>>, vector<1x16xf32>,
      %broadcast_in_dim3A_124 = arith.constant 0.000000e+00 : f32
      %broadcast_in_dim3A_125 = vector.broadcast %broadcast_in_dim3A_124 : f32 to vector<16xf32>
      %swap3A_126 = arith.index_cast %scan3A_104 : i32 to index
      %swap3A_127 = arith.constant 48 : index
      %swap3A_128 = tpu.vector_load %arg9[%swap3A_126, %swap3A_127] {strides = array<i32>} : memref<125x128xf32, #tpu.memory_space<vmem>>, vector<1x16xf32>,
      %swap3A_129 = vector.shape_cast %swap3A_128 : vector<1x16xf32> to vector<16xf32>
      %swap3A_130 = vector.shape_cast %broadcast_in_dim3A_125 : vector<16xf32> to vector<1x16xf32>
      tpu.vector_store %arg9[%swap3A_126, %swap3A_127], %swap3A_130 {strides = array<i32>} : memref<125x128xf32, #tpu.memory_space<vmem>>, vector<1x16xf32>,
      %broadcast_in_dim3A_131 = arith.constant 0.000000e+00 : f32
      %broadcast_in_dim3A_132 = vector.broadcast %broadcast_in_dim3A_131 : f32 to vector<16xf32>
      %swap3A_133 = arith.index_cast %scan3A_104 : i32 to index
      %swap3A_134 = arith.constant 64 : index
      %swap3A_135 = tpu.vector_load %arg9[%swap3A_133, %swap3A_134] {strides = array<i32>} : memref<125x128xf32, #tpu.memory_space<vmem>>, vector<1x16xf32>,
      %swap3A_136 = vector.shape_cast %swap3A_135 : vector<1x16xf32> to vector<16xf32>
      %swap3A_137 = vector.shape_cast %broadcast_in_dim3A_132 : vector<16xf32> to vector<1x16xf32>
      tpu.vector_store %arg9[%swap3A_133, %swap3A_134], %swap3A_137 {strides = array<i32>} : memref<125x128xf32, #tpu.memory_space<vmem>>, vector<1x16xf32>,
      %broadcast_in_dim3A_138 = arith.constant 0.000000e+00 : f32
      %broadcast_in_dim3A_139 = vector.broadcast %broadcast_in_dim3A_138 : f32 to vector<16xf32>
      %swap3A_140 = arith.index_cast %scan3A_104 : i32 to index
      %swap3A_141 = arith.constant 80 : index
      %swap3A_142 = tpu.vector_load %arg9[%swap3A_140, %swap3A_141] {strides = array<i32>} : memref<125x128xf32, #tpu.memory_space<vmem>>, vector<1x16xf32>,
      %swap3A_143 = vector.shape_cast %swap3A_142 : vector<1x16xf32> to vector<16xf32>
      %swap3A_144 = vector.shape_cast %broadcast_in_dim3A_139 : vector<16xf32> to vector<1x16xf32>
      tpu.vector_store %arg9[%swap3A_140, %swap3A_141], %swap3A_144 {strides = array<i32>} : memref<125x128xf32, #tpu.memory_space<vmem>>, vector<1x16xf32>,
      %broadcast_in_dim3A_145 = arith.constant 0.000000e+00 : f32
      %broadcast_in_dim3A_146 = vector.broadcast %broadcast_in_dim3A_145 : f32 to vector<16xf32>
      %swap3A_147 = arith.index_cast %scan3A_104 : i32 to index
      %swap3A_148 = arith.constant 96 : index
      %swap3A_149 = tpu.vector_load %arg9[%swap3A_147, %swap3A_148] {strides = array<i32>} : memref<125x128xf32, #tpu.memory_space<vmem>>, vector<1x16xf32>,
      %swap3A_150 = vector.shape_cast %swap3A_149 : vector<1x16xf32> to vector<16xf32>
      %swap3A_151 = vector.shape_cast %broadcast_in_dim3A_146 : vector<16xf32> to vector<1x16xf32>
      tpu.vector_store %arg9[%swap3A_147, %swap3A_148], %swap3A_151 {strides = array<i32>} : memref<125x128xf32, #tpu.memory_space<vmem>>, vector<1x16xf32>,
      %broadcast_in_dim3A_152 = arith.constant 0.000000e+00 : f32
      %broadcast_in_dim3A_153 = vector.broadcast %broadcast_in_dim3A_152 : f32 to vector<16xf32>
      %swap3A_154 = arith.index_cast %scan3A_104 : i32 to index
      %swap3A_155 = arith.constant 112 : index
      %swap3A_156 = tpu.vector_load %arg9[%swap3A_154, %swap3A_155] {strides = array<i32>} : memref<125x128xf32, #tpu.memory_space<vmem>>, vector<1x16xf32>,
      %swap3A_157 = vector.shape_cast %swap3A_156 : vector<1x16xf32> to vector<16xf32>
      %swap3A_158 = vector.shape_cast %broadcast_in_dim3A_153 : vector<16xf32> to vector<1x16xf32>
      tpu.vector_store %arg9[%swap3A_154, %swap3A_155], %swap3A_158 {strides = array<i32>} : memref<125x128xf32, #tpu.memory_space<vmem>>, vector<1x16xf32>,
    }
    %scan3A_7 = arith.constant 125 : i32
    %add3A_8 = arith.constant 0 : i32
    %add3A_9 = arith.addi %mul3A_2, %add3A_8 : i32
    "tpu.region"() ({
      %run_scoped3A = tpu.sem_alloc : memref<!tpu.dma_semaphore, #tpu.memory_space<semaphore_mem>>
      %dma_start3A_104 = arith.constant 0 : i32
      %dma_start3A_105 = arith.constant 0 : i32
      %dma_start3A_106 = tpu.memref_slice %arg9[%dma_start3A_104, %dma_start3A_105] : memref<125x128xf32, #tpu.memory_space<vmem>> -> memref<120x128xf32, #tpu.memory_space<vmem>>
      %dma_start3A_107 = arith.constant 0 : i32
      %dma_start3A_108 = tpu.memref_slice %arg6[%add3A_9, %dma_start3A_107] : memref<10112x128xf32, #tpu.memory_space<vmem_shared>> -> memref<120x128xf32, #tpu.memory_space<vmem_shared>>
      %dma_start3A_109 = arith.constant 0 : i32
      %dma_start3A_110 = tpu.memref_slice %arg6[%add3A_9, %dma_start3A_109] : memref<10112x128xf32, #tpu.memory_space<vmem_shared>> -> memref<120x128xf32, #tpu.memory_space<vmem_shared>>
      %dma_start3A_111 = arith.constant 0 : i32
      %dma_start3A_112 = arith.constant 0 : i32
      %dma_start3A_113 = tpu.memref_slice %arg9[%dma_start3A_111, %dma_start3A_112] : memref<125x128xf32, #tpu.memory_space<vmem>> -> memref<120x128xf32, #tpu.memory_space<vmem>>
      tpu.enqueue_dma source(%dma_start3A_113 : memref<120x128xf32, #tpu.memory_space<vmem>>) target(%dma_start3A_110 : memref<120x128xf32, #tpu.memory_space<vmem_shared>>) target_semaphore(%run_scoped3A : memref<!tpu.dma_semaphore, #tpu.memory_space<semaphore_mem>>)
      %dma_wait3A_114 = arith.constant 0 : i32
      %dma_wait3A_115 = arith.constant 0 : i32
      %dma_wait3A_116 = tpu.memref_slice %arg9[%dma_wait3A_114, %dma_wait3A_115] : memref<125x128xf32, #tpu.memory_space<vmem>> -> memref<120x128xf32, #tpu.memory_space<vmem>>
      %dma_wait3A_117 = arith.constant 0 : i32
      %dma_wait3A_118 = tpu.memref_slice %arg6[%add3A_9, %dma_wait3A_117] : memref<10112x128xf32, #tpu.memory_space<vmem_shared>> -> memref<120x128xf32, #tpu.memory_space<vmem_shared>>
      %dma_wait3A_119 = arith.constant 0 : i32
      %dma_wait3A_120 = tpu.memref_slice %arg6[%add3A_9, %dma_wait3A_119] : memref<10112x128xf32, #tpu.memory_space<vmem_shared>> -> memref<120x128xf32, #tpu.memory_space<vmem_shared>>
      %dma_wait3A_121 = arith.constant 0 : i32
      %dma_wait3A_122 = arith.constant 0 : i32
      %dma_wait3A_123 = tpu.memref_slice %arg9[%dma_wait3A_121, %dma_wait3A_122] : memref<125x128xf32, #tpu.memory_space<vmem>> -> memref<120x128xf32, #tpu.memory_space<vmem>>
      tpu.wait_dma2 semaphore(%run_scoped3A : memref<!tpu.dma_semaphore, #tpu.memory_space<semaphore_mem>>) src(%dma_wait3A_123 : memref<120x128xf32, #tpu.memory_space<vmem>>) dst(%dma_wait3A_120 : memref<120x128xf32, #tpu.memory_space<vmem_shared>>)
      tpu.yield
    }) : () -> ()
    %add3A_10 = arith.constant 120 : i32
    %add3A_11 = arith.addi %mul3A_2, %add3A_10 : i32
    "tpu.region"() ({
      %run_scoped3A = tpu.sem_alloc : memref<!tpu.dma_semaphore, #tpu.memory_space<semaphore_mem>>
      %dma_start3A_104 = arith.constant 0 : i32
      %dma_start3A_105 = arith.constant 0 : i32
      %dma_start3A_106 = tpu.memref_slice %arg9[%dma_start3A_104, %dma_start3A_105] : memref<125x128xf32, #tpu.memory_space<vmem>> -> memref<120x128xf32, #tpu.memory_space<vmem>>
      %dma_start3A_107 = arith.constant 0 : i32
      %dma_start3A_108 = tpu.memref_slice %arg6[%add3A_11, %dma_start3A_107] : memref<10112x128xf32, #tpu.memory_space<vmem_shared>> -> memref<120x128xf32, #tpu.memory_space<vmem_shared>>
      %dma_start3A_109 = arith.constant 0 : i32
      %dma_start3A_110 = tpu.memref_slice %arg6[%add3A_11, %dma_start3A_109] : memref<10112x128xf32, #tpu.memory_space<vmem_shared>> -> memref<120x128xf32, #tpu.memory_space<vmem_shared>>
      %dma_start3A_111 = arith.constant 0 : i32
      %dma_start3A_112 = arith.constant 0 : i32
      %dma_start3A_113 = tpu.memref_slice %arg9[%dma_start3A_111, %dma_start3A_112] : memref<125x128xf32, #tpu.memory_space<vmem>> -> memref<120x128xf32, #tpu.memory_space<vmem>>
      tpu.enqueue_dma source(%dma_start3A_113 : memref<120x128xf32, #tpu.memory_space<vmem>>) target(%dma_start3A_110 : memref<120x128xf32, #tpu.memory_space<vmem_shared>>) target_semaphore(%run_scoped3A : memref<!tpu.dma_semaphore, #tpu.memory_space<semaphore_mem>>)
      %dma_wait3A_114 = arith.constant 0 : i32
      %dma_wait3A_115 = arith.constant 0 : i32
      %dma_wait3A_116 = tpu.memref_slice %arg9[%dma_wait3A_114, %dma_wait3A_115] : memref<125x128xf32, #tpu.memory_space<vmem>> -> memref<120x128xf32, #tpu.memory_space<vmem>>
      %dma_wait3A_117 = arith.constant 0 : i32
      %dma_wait3A_118 = tpu.memref_slice %arg6[%add3A_11, %dma_wait3A_117] : memref<10112x128xf32, #tpu.memory_space<vmem_shared>> -> memref<120x128xf32, #tpu.memory_space<vmem_shared>>
      %dma_wait3A_119 = arith.constant 0 : i32
      %dma_wait3A_120 = tpu.memref_slice %arg6[%add3A_11, %dma_wait3A_119] : memref<10112x128xf32, #tpu.memory_space<vmem_shared>> -> memref<120x128xf32, #tpu.memory_space<vmem_shared>>
      %dma_wait3A_121 = arith.constant 0 : i32
      %dma_wait3A_122 = arith.constant 0 : i32
      %dma_wait3A_123 = tpu.memref_slice %arg9[%dma_wait3A_121, %dma_wait3A_122] : memref<125x128xf32, #tpu.memory_space<vmem>> -> memref<120x128xf32, #tpu.memory_space<vmem>>
      tpu.wait_dma2 semaphore(%run_scoped3A : memref<!tpu.dma_semaphore, #tpu.memory_space<semaphore_mem>>) src(%dma_wait3A_123 : memref<120x128xf32, #tpu.memory_space<vmem>>) dst(%dma_wait3A_120 : memref<120x128xf32, #tpu.memory_space<vmem_shared>>)
      tpu.yield
    }) : () -> ()
    %add3A_12 = arith.constant 240 : i32
    %add3A_13 = arith.addi %mul3A_2, %add3A_12 : i32
    "tpu.region"() ({
      %run_scoped3A = tpu.sem_alloc : memref<!tpu.dma_semaphore, #tpu.memory_space<semaphore_mem>>
      %dma_start3A_104 = arith.constant 0 : i32
      %dma_start3A_105 = arith.constant 0 : i32
      %dma_start3A_106 = tpu.memref_slice %arg9[%dma_start3A_104, %dma_start3A_105] : memref<125x128xf32, #tpu.memory_space<vmem>> -> memref<120x128xf32, #tpu.memory_space<vmem>>
      %dma_start3A_107 = arith.constant 0 : i32
      %dma_start3A_108 = tpu.memref_slice %arg6[%add3A_13, %dma_start3A_107] : memref<10112x128xf32, #tpu.memory_space<vmem_shared>> -> memref<120x128xf32, #tpu.memory_space<vmem_shared>>
      %dma_start3A_109 = arith.constant 0 : i32
      %dma_start3A_110 = tpu.memref_slice %arg6[%add3A_13, %dma_start3A_109] : memref<10112x128xf32, #tpu.memory_space<vmem_shared>> -> memref<120x128xf32, #tpu.memory_space<vmem_shared>>
      %dma_start3A_111 = arith.constant 0 : i32
      %dma_start3A_112 = arith.constant 0 : i32
      %dma_start3A_113 = tpu.memref_slice %arg9[%dma_start3A_111, %dma_start3A_112] : memref<125x128xf32, #tpu.memory_space<vmem>> -> memref<120x128xf32, #tpu.memory_space<vmem>>
      tpu.enqueue_dma source(%dma_start3A_113 : memref<120x128xf32, #tpu.memory_space<vmem>>) target(%dma_start3A_110 : memref<120x128xf32, #tpu.memory_space<vmem_shared>>) target_semaphore(%run_scoped3A : memref<!tpu.dma_semaphore, #tpu.memory_space<semaphore_mem>>)
      %dma_wait3A_114 = arith.constant 0 : i32
      %dma_wait3A_115 = arith.constant 0 : i32
      %dma_wait3A_116 = tpu.memref_slice %arg9[%dma_wait3A_114, %dma_wait3A_115] : memref<125x128xf32, #tpu.memory_space<vmem>> -> memref<120x128xf32, #tpu.memory_space<vmem>>
      %dma_wait3A_117 = arith.constant 0 : i32
      %dma_wait3A_118 = tpu.memref_slice %arg6[%add3A_13, %dma_wait3A_117] : memref<10112x128xf32, #tpu.memory_space<vmem_shared>> -> memref<120x128xf32, #tpu.memory_space<vmem_shared>>
      %dma_wait3A_119 = arith.constant 0 : i32
      %dma_wait3A_120 = tpu.memref_slice %arg6[%add3A_13, %dma_wait3A_119] : memref<10112x128xf32, #tpu.memory_space<vmem_shared>> -> memref<120x128xf32, #tpu.memory_space<vmem_shared>>
      %dma_wait3A_121 = arith.constant 0 : i32
      %dma_wait3A_122 = arith.constant 0 : i32
      %dma_wait3A_123 = tpu.memref_slice %arg9[%dma_wait3A_121, %dma_wait3A_122] : memref<125x128xf32, #tpu.memory_space<vmem>> -> memref<120x128xf32, #tpu.memory_space<vmem>>
      tpu.wait_dma2 semaphore(%run_scoped3A : memref<!tpu.dma_semaphore, #tpu.memory_space<semaphore_mem>>) src(%dma_wait3A_123 : memref<120x128xf32, #tpu.memory_space<vmem>>) dst(%dma_wait3A_120 : memref<120x128xf32, #tpu.memory_space<vmem_shared>>)
      tpu.yield
    }) : () -> ()
    %add3A_14 = arith.constant 360 : i32
    %add3A_15 = arith.addi %mul3A_2, %add3A_14 : i32
    "tpu.region"() ({
      %run_scoped3A = tpu.sem_alloc : memref<!tpu.dma_semaphore, #tpu.memory_space<semaphore_mem>>
      %dma_start3A_104 = arith.constant 0 : i32
      %dma_start3A_105 = arith.constant 0 : i32
      %dma_start3A_106 = tpu.memref_slice %arg9[%dma_start3A_104, %dma_start3A_105] : memref<125x128xf32, #tpu.memory_space<vmem>> -> memref<120x128xf32, #tpu.memory_space<vmem>>
      %dma_start3A_107 = arith.constant 0 : i32
      %dma_start3A_108 = tpu.memref_slice %arg6[%add3A_15, %dma_start3A_107] : memref<10112x128xf32, #tpu.memory_space<vmem_shared>> -> memref<120x128xf32, #tpu.memory_space<vmem_shared>>
      %dma_start3A_109 = arith.constant 0 : i32
      %dma_start3A_110 = tpu.memref_slice %arg6[%add3A_15, %dma_start3A_109] : memref<10112x128xf32, #tpu.memory_space<vmem_shared>> -> memref<120x128xf32, #tpu.memory_space<vmem_shared>>
      %dma_start3A_111 = arith.constant 0 : i32
      %dma_start3A_112 = arith.constant 0 : i32
      %dma_start3A_113 = tpu.memref_slice %arg9[%dma_start3A_111, %dma_start3A_112] : memref<125x128xf32, #tpu.memory_space<vmem>> -> memref<120x128xf32, #tpu.memory_space<vmem>>
      tpu.enqueue_dma source(%dma_start3A_113 : memref<120x128xf32, #tpu.memory_space<vmem>>) target(%dma_start3A_110 : memref<120x128xf32, #tpu.memory_space<vmem_shared>>) target_semaphore(%run_scoped3A : memref<!tpu.dma_semaphore, #tpu.memory_space<semaphore_mem>>)
      %dma_wait3A_114 = arith.constant 0 : i32
      %dma_wait3A_115 = arith.constant 0 : i32
      %dma_wait3A_116 = tpu.memref_slice %arg9[%dma_wait3A_114, %dma_wait3A_115] : memref<125x128xf32, #tpu.memory_space<vmem>> -> memref<120x128xf32, #tpu.memory_space<vmem>>
      %dma_wait3A_117 = arith.constant 0 : i32
      %dma_wait3A_118 = tpu.memref_slice %arg6[%add3A_15, %dma_wait3A_117] : memref<10112x128xf32, #tpu.memory_space<vmem_shared>> -> memref<120x128xf32, #tpu.memory_space<vmem_shared>>
      %dma_wait3A_119 = arith.constant 0 : i32
      %dma_wait3A_120 = tpu.memref_slice %arg6[%add3A_15, %dma_wait3A_119] : memref<10112x128xf32, #tpu.memory_space<vmem_shared>> -> memref<120x128xf32, #tpu.memory_space<vmem_shared>>
      %dma_wait3A_121 = arith.constant 0 : i32
      %dma_wait3A_122 = arith.constant 0 : i32
      %dma_wait3A_123 = tpu.memref_slice %arg9[%dma_wait3A_121, %dma_wait3A_122] : memref<125x128xf32, #tpu.memory_space<vmem>> -> memref<120x128xf32, #tpu.memory_space<vmem>>
      tpu.wait_dma2 semaphore(%run_scoped3A : memref<!tpu.dma_semaphore, #tpu.memory_space<semaphore_mem>>) src(%dma_wait3A_123 : memref<120x128xf32, #tpu.memory_space<vmem>>) dst(%dma_wait3A_120 : memref<120x128xf32, #tpu.memory_space<vmem_shared>>)
      tpu.yield
    }) : () -> ()
    %add3A_16 = arith.constant 480 : i32
    %add3A_17 = arith.addi %mul3A_2, %add3A_16 : i32
    "tpu.region"() ({
      %run_scoped3A = tpu.sem_alloc : memref<!tpu.dma_semaphore, #tpu.memory_space<semaphore_mem>>
      %dma_start3A_104 = arith.constant 0 : i32
      %dma_start3A_105 = arith.constant 0 : i32
      %dma_start3A_106 = tpu.memref_slice %arg9[%dma_start3A_104, %dma_start3A_105] : memref<125x128xf32, #tpu.memory_space<vmem>> -> memref<120x128xf32, #tpu.memory_space<vmem>>
      %dma_start3A_107 = arith.constant 0 : i32
      %dma_start3A_108 = tpu.memref_slice %arg6[%add3A_17, %dma_start3A_107] : memref<10112x128xf32, #tpu.memory_space<vmem_shared>> -> memref<120x128xf32, #tpu.memory_space<vmem_shared>>
      %dma_start3A_109 = arith.constant 0 : i32
      %dma_start3A_110 = tpu.memref_slice %arg6[%add3A_17, %dma_start3A_109] : memref<10112x128xf32, #tpu.memory_space<vmem_shared>> -> memref<120x128xf32, #tpu.memory_space<vmem_shared>>
      %dma_start3A_111 = arith.constant 0 : i32
      %dma_start3A_112 = arith.constant 0 : i32
      %dma_start3A_113 = tpu.memref_slice %arg9[%dma_start3A_111, %dma_start3A_112] : memref<125x128xf32, #tpu.memory_space<vmem>> -> memref<120x128xf32, #tpu.memory_space<vmem>>
      tpu.enqueue_dma source(%dma_start3A_113 : memref<120x128xf32, #tpu.memory_space<vmem>>) target(%dma_start3A_110 : memref<120x128xf32, #tpu.memory_space<vmem_shared>>) target_semaphore(%run_scoped3A : memref<!tpu.dma_semaphore, #tpu.memory_space<semaphore_mem>>)
      %dma_wait3A_114 = arith.constant 0 : i32
      %dma_wait3A_115 = arith.constant 0 : i32
      %dma_wait3A_116 = tpu.memref_slice %arg9[%dma_wait3A_114, %dma_wait3A_115] : memref<125x128xf32, #tpu.memory_space<vmem>> -> memref<120x128xf32, #tpu.memory_space<vmem>>
      %dma_wait3A_117 = arith.constant 0 : i32
      %dma_wait3A_118 = tpu.memref_slice %arg6[%add3A_17, %dma_wait3A_117] : memref<10112x128xf32, #tpu.memory_space<vmem_shared>> -> memref<120x128xf32, #tpu.memory_space<vmem_shared>>
      %dma_wait3A_119 = arith.constant 0 : i32
      %dma_wait3A_120 = tpu.memref_slice %arg6[%add3A_17, %dma_wait3A_119] : memref<10112x128xf32, #tpu.memory_space<vmem_shared>> -> memref<120x128xf32, #tpu.memory_space<vmem_shared>>
      %dma_wait3A_121 = arith.constant 0 : i32
      %dma_wait3A_122 = arith.constant 0 : i32
      %dma_wait3A_123 = tpu.memref_slice %arg9[%dma_wait3A_121, %dma_wait3A_122] : memref<125x128xf32, #tpu.memory_space<vmem>> -> memref<120x128xf32, #tpu.memory_space<vmem>>
      tpu.wait_dma2 semaphore(%run_scoped3A : memref<!tpu.dma_semaphore, #tpu.memory_space<semaphore_mem>>) src(%dma_wait3A_123 : memref<120x128xf32, #tpu.memory_space<vmem>>) dst(%dma_wait3A_120 : memref<120x128xf32, #tpu.memory_space<vmem_shared>>)
      tpu.yield
    }) : () -> ()
    %add3A_18 = arith.constant 600 : i32
    %add3A_19 = arith.addi %mul3A_2, %add3A_18 : i32
    "tpu.region"() ({
      %run_scoped3A = tpu.sem_alloc : memref<!tpu.dma_semaphore, #tpu.memory_space<semaphore_mem>>
      %dma_start3A_104 = arith.constant 0 : i32
      %dma_start3A_105 = arith.constant 0 : i32
      %dma_start3A_106 = tpu.memref_slice %arg9[%dma_start3A_104, %dma_start3A_105] : memref<125x128xf32, #tpu.memory_space<vmem>> -> memref<32x128xf32, #tpu.memory_space<vmem>>
      %dma_start3A_107 = arith.constant 0 : i32
      %dma_start3A_108 = tpu.memref_slice %arg6[%add3A_19, %dma_start3A_107] : memref<10112x128xf32, #tpu.memory_space<vmem_shared>> -> memref<32x128xf32, #tpu.memory_space<vmem_shared>>
      %dma_start3A_109 = arith.constant 0 : i32
      %dma_start3A_110 = tpu.memref_slice %arg6[%add3A_19, %dma_start3A_109] : memref<10112x128xf32, #tpu.memory_space<vmem_shared>> -> memref<32x128xf32, #tpu.memory_space<vmem_shared>>
      %dma_start3A_111 = arith.constant 0 : i32
      %dma_start3A_112 = arith.constant 0 : i32
      %dma_start3A_113 = tpu.memref_slice %arg9[%dma_start3A_111, %dma_start3A_112] : memref<125x128xf32, #tpu.memory_space<vmem>> -> memref<32x128xf32, #tpu.memory_space<vmem>>
      tpu.enqueue_dma source(%dma_start3A_113 : memref<32x128xf32, #tpu.memory_space<vmem>>) target(%dma_start3A_110 : memref<32x128xf32, #tpu.memory_space<vmem_shared>>) target_semaphore(%run_scoped3A : memref<!tpu.dma_semaphore, #tpu.memory_space<semaphore_mem>>)
      %dma_wait3A_114 = arith.constant 0 : i32
      %dma_wait3A_115 = arith.constant 0 : i32
      %dma_wait3A_116 = tpu.memref_slice %arg9[%dma_wait3A_114, %dma_wait3A_115] : memref<125x128xf32, #tpu.memory_space<vmem>> -> memref<32x128xf32, #tpu.memory_space<vmem>>
      %dma_wait3A_117 = arith.constant 0 : i32
      %dma_wait3A_118 = tpu.memref_slice %arg6[%add3A_19, %dma_wait3A_117] : memref<10112x128xf32, #tpu.memory_space<vmem_shared>> -> memref<32x128xf32, #tpu.memory_space<vmem_shared>>
      %dma_wait3A_119 = arith.constant 0 : i32
      %dma_wait3A_120 = tpu.memref_slice %arg6[%add3A_19, %dma_wait3A_119] : memref<10112x128xf32, #tpu.memory_space<vmem_shared>> -> memref<32x128xf32, #tpu.memory_space<vmem_shared>>
      %dma_wait3A_121 = arith.constant 0 : i32
      %dma_wait3A_122 = arith.constant 0 : i32
      %dma_wait3A_123 = tpu.memref_slice %arg9[%dma_wait3A_121, %dma_wait3A_122] : memref<125x128xf32, #tpu.memory_space<vmem>> -> memref<32x128xf32, #tpu.memory_space<vmem>>
      tpu.wait_dma2 semaphore(%run_scoped3A : memref<!tpu.dma_semaphore, #tpu.memory_space<semaphore_mem>>) src(%dma_wait3A_123 : memref<32x128xf32, #tpu.memory_space<vmem>>) dst(%dma_wait3A_120 : memref<32x128xf32, #tpu.memory_space<vmem_shared>>)
      tpu.yield
    }) : () -> ()
    %barrier3A = arith.constant 0 : index
    tpu.barrier barrier_id(%barrier3A)
    %mul3A_20 = arith.constant 80 : i32
    %mul3A_21 = arith.muli %add3A, %mul3A_20 : i32
    "tpu.region"() ({
      %run_scoped3A = tpu.sem_alloc : memref<!tpu.dma_semaphore, #tpu.memory_space<semaphore_mem>>
      %dma_start3A_104 = arith.constant 0 : i32
      %dma_start3A_105 = tpu.memref_slice %arg4[%mul3A_21, %dma_start3A_104] : memref<2560x125xi32, #tpu.memory_space<hbm>> -> memref<80x125xi32, #tpu.memory_space<hbm>>
      %dma_start3A_106 = arith.constant 0 : i32
      %dma_start3A_107 = tpu.memref_slice %arg4[%mul3A_21, %dma_start3A_106] : memref<2560x125xi32, #tpu.memory_space<hbm>> -> memref<80x125xi32, #tpu.memory_space<hbm>>
      tpu.enqueue_dma source(%dma_start3A_107 : memref<80x125xi32, #tpu.memory_space<hbm>>) target(%arg8 : memref<80x125xi32, #tpu.memory_space<vmem>>) target_semaphore(%run_scoped3A : memref<!tpu.dma_semaphore, #tpu.memory_space<semaphore_mem>>)
      %dma_wait3A_108 = arith.constant 0 : i32
      %dma_wait3A_109 = tpu.memref_slice %arg4[%mul3A_21, %dma_wait3A_108] : memref<2560x125xi32, #tpu.memory_space<hbm>> -> memref<80x125xi32, #tpu.memory_space<hbm>>
      %dma_wait3A_110 = arith.constant 0 : i32
      %dma_wait3A_111 = tpu.memref_slice %arg4[%mul3A_21, %dma_wait3A_110] : memref<2560x125xi32, #tpu.memory_space<hbm>> -> memref<80x125xi32, #tpu.memory_space<hbm>>
      tpu.wait_dma2 semaphore(%run_scoped3A : memref<!tpu.dma_semaphore, #tpu.memory_space<semaphore_mem>>) src(%dma_wait3A_111 : memref<80x125xi32, #tpu.memory_space<hbm>>) dst(%arg8 : memref<80x125xi32, #tpu.memory_space<vmem>>)
      tpu.yield
    }) : () -> ()
    %add3A_22 = arith.constant 0 : i32
    %add3A_23 = arith.addi %mul3A_21, %add3A_22 : i32
    %dma_start3A = arith.constant 0 : i32
    %dma_start3A_24 = arith.constant 0 : i32
    %dma_start3A_25 = arith.constant 0 : i32
    %dma_start3A_26 = tpu.memref_slice %arg7[%dma_start3A, %dma_start3A_24, %dma_start3A_25] : memref<2x8x125xi32, #tpu.memory_space<vmem>> -> memref<1x8x125xi32, #tpu.memory_space<vmem>>
    %dma_start3A_27 = tpu.memref_squeeze %dma_start3A_26 : memref<1x8x125xi32, #tpu.memory_space<vmem>> -> memref<8x125xi32, #tpu.memory_space<vmem>>
    %dma_start3A_28 = arith.constant 0 : i32
    %dma_start3A_29 = tpu.memref_slice %arg3[%add3A_23, %dma_start3A_28] : memref<2560x125xi32, #tpu.memory_space<hbm>> -> memref<8x125xi32, #tpu.memory_space<hbm>>
    %dma_start3A_30 = arith.constant 0 : i32
    %dma_start3A_31 = arith.constant 0 : i32
    %dma_start3A_32 = tpu.memref_slice %arg7[%dma_start3A, %dma_start3A_30, %dma_start3A_31] : memref<2x8x125xi32, #tpu.memory_space<vmem>> -> memref<1x8x125xi32, #tpu.memory_space<vmem>>
    %dma_start3A_33 = tpu.memref_squeeze %dma_start3A_32 : memref<1x8x125xi32, #tpu.memory_space<vmem>> -> memref<8x125xi32, #tpu.memory_space<vmem>>
    %dma_start3A_34 = arith.constant 0 : i32
    %dma_start3A_35 = tpu.memref_slice %arg3[%add3A_23, %dma_start3A_34] : memref<2560x125xi32, #tpu.memory_space<hbm>> -> memref<8x125xi32, #tpu.memory_space<hbm>>
    tpu.enqueue_dma source(%dma_start3A_35 : memref<8x125xi32, #tpu.memory_space<hbm>>) target(%dma_start3A_33 : memref<8x125xi32, #tpu.memory_space<vmem>>) target_semaphore(%arg13 : memref<!tpu.dma_semaphore, #tpu.memory_space<semaphore_mem>>)
    %dma_wait3A = arith.constant 0 : i32
    %dma_wait3A_36 = arith.constant 0 : i32
    %dma_wait3A_37 = arith.constant 0 : i32
    %dma_wait3A_38 = tpu.memref_slice %arg7[%dma_wait3A, %dma_wait3A_36, %dma_wait3A_37] : memref<2x8x125xi32, #tpu.memory_space<vmem>> -> memref<1x8x125xi32, #tpu.memory_space<vmem>>
    %dma_wait3A_39 = tpu.memref_squeeze %dma_wait3A_38 : memref<1x8x125xi32, #tpu.memory_space<vmem>> -> memref<8x125xi32, #tpu.memory_space<vmem>>
    %dma_wait3A_40 = arith.constant 0 : i32
    %dma_wait3A_41 = arith.constant 0 : i32
    %dma_wait3A_42 = tpu.memref_slice %arg3[%dma_wait3A_40, %dma_wait3A_41] : memref<2560x125xi32, #tpu.memory_space<hbm>> -> memref<8x125xi32, #tpu.memory_space<hbm>>
    %dma_wait3A_43 = arith.constant 0 : i32
    %dma_wait3A_44 = arith.constant 0 : i32
    %dma_wait3A_45 = tpu.memref_slice %arg7[%dma_wait3A, %dma_wait3A_43, %dma_wait3A_44] : memref<2x8x125xi32, #tpu.memory_space<vmem>> -> memref<1x8x125xi32, #tpu.memory_space<vmem>>
    %dma_wait3A_46 = tpu.memref_squeeze %dma_wait3A_45 : memref<1x8x125xi32, #tpu.memory_space<vmem>> -> memref<8x125xi32, #tpu.memory_space<vmem>>
    %dma_wait3A_47 = arith.constant 0 : i32
    %dma_wait3A_48 = arith.constant 0 : i32
    %dma_wait3A_49 = tpu.memref_slice %arg3[%dma_wait3A_47, %dma_wait3A_48] : memref<2560x125xi32, #tpu.memory_space<hbm>> -> memref<8x125xi32, #tpu.memory_space<hbm>>
    tpu.wait_dma2 semaphore(%arg13 : memref<!tpu.dma_semaphore, #tpu.memory_space<semaphore_mem>>) src(%dma_wait3A_49 : memref<8x125xi32, #tpu.memory_space<hbm>>) dst(%dma_wait3A_46 : memref<8x125xi32, #tpu.memory_space<vmem>>)
    %add3A_50 = arith.constant 8 : i32
    %add3A_51 = arith.addi %mul3A_21, %add3A_50 : i32
    %dma_start3A_52 = arith.constant 1 : i32
    %dma_start3A_53 = arith.constant 0 : i32
    %dma_start3A_54 = arith.constant 0 : i32
    %dma_start3A_55 = tpu.memref_slice %arg7[%dma_start3A_52, %dma_start3A_53, %dma_start3A_54] : memref<2x8x125xi32, #tpu.memory_space<vmem>> -> memref<1x8x125xi32, #tpu.memory_space<vmem>>
    %dma_start3A_56 = tpu.memref_squeeze %dma_start3A_55 : memref<1x8x125xi32, #tpu.memory_space<vmem>> -> memref<8x125xi32, #tpu.memory_space<vmem>>
    %dma_start3A_57 = arith.constant 0 : i32
    %dma_start3A_58 = tpu.memref_slice %arg3[%add3A_51, %dma_start3A_57] : memref<2560x125xi32, #tpu.memory_space<hbm>> -> memref<8x125xi32, #tpu.memory_space<hbm>>
    %dma_start3A_59 = arith.constant 0 : i32
    %dma_start3A_60 = arith.constant 0 : i32
    %dma_start3A_61 = tpu.memref_slice %arg7[%dma_start3A_52, %dma_start3A_59, %dma_start3A_60] : memref<2x8x125xi32, #tpu.memory_space<vmem>> -> memref<1x8x125xi32, #tpu.memory_space<vmem>>
    %dma_start3A_62 = tpu.memref_squeeze %dma_start3A_61 : memref<1x8x125xi32, #tpu.memory_space<vmem>> -> memref<8x125xi32, #tpu.memory_space<vmem>>
    %dma_start3A_63 = arith.constant 0 : i32
    %dma_start3A_64 = tpu.memref_slice %arg3[%add3A_51, %dma_start3A_63] : memref<2560x125xi32, #tpu.memory_space<hbm>> -> memref<8x125xi32, #tpu.memory_space<hbm>>
    tpu.enqueue_dma source(%dma_start3A_64 : memref<8x125xi32, #tpu.memory_space<hbm>>) target(%dma_start3A_62 : memref<8x125xi32, #tpu.memory_space<vmem>>) target_semaphore(%arg14 : memref<!tpu.dma_semaphore, #tpu.memory_space<semaphore_mem>>)
    %dma_start3A_65 = arith.constant 0 : i32
    %dma_start3A_66 = arith.constant 0 : i32
    %dma_start3A_67 = arith.constant 0 : i32
    %dma_start3A_68 = tpu.memref_slice %arg7[%dma_start3A_65, %dma_start3A_66, %dma_start3A_67] : memref<2x8x125xi32, #tpu.memory_space<vmem>> -> memref<1x1x125xi32, #tpu.memory_space<vmem>>
    %dma_start3A_69 = tpu.memref_squeeze %dma_start3A_68 : memref<1x1x125xi32, #tpu.memory_space<vmem>> -> memref<125xi32, #tpu.memory_space<vmem>>
    %dma_start3A_70 = arith.constant 0 : i32
    %dma_start3A_71 = arith.constant 0 : i32
    %dma_start3A_72 = tpu.memref_slice %arg2[%dma_start3A_70, %dma_start3A_71] : memref<10000x128xf32, #tpu.memory_space<hbm>> -> memref<10000x128xf32, #tpu.memory_space<hbm>>
    tpu.enqueue_indirect_dma source(%dma_start3A_72 : memref<10000x128xf32, #tpu.memory_space<hbm>>) target(%arg9 : memref<125x128xf32, #tpu.memory_space<vmem>>) offsets(%dma_start3A_69 : memref<125xi32, #tpu.memory_space<vmem>>) semaphore(%arg11 : memref<!tpu.dma_semaphore, #tpu.memory_space<semaphore_mem>>)
    %dma_start3A_73 = arith.constant 0 : i32
    %dma_start3A_74 = arith.constant 1 : i32
    %dma_start3A_75 = arith.constant 0 : i32
    %dma_start3A_76 = tpu.memref_slice %arg7[%dma_start3A_73, %dma_start3A_74, %dma_start3A_75] : memref<2x8x125xi32, #tpu.memory_space<vmem>> -> memref<1x1x125xi32, #tpu.memory_space<vmem>>
    %dma_start3A_77 = tpu.memref_squeeze %dma_start3A_76 : memref<1x1x125xi32, #tpu.memory_space<vmem>> -> memref<125xi32, #tpu.memory_space<vmem>>
    %dma_start3A_78 = arith.constant 0 : i32
    %dma_start3A_79 = arith.constant 0 : i32
    %dma_start3A_80 = tpu.memref_slice %arg2[%dma_start3A_78, %dma_start3A_79] : memref<10000x128xf32, #tpu.memory_space<hbm>> -> memref<10000x128xf32, #tpu.memory_space<hbm>>
    tpu.enqueue_indirect_dma source(%dma_start3A_80 : memref<10000x128xf32, #tpu.memory_space<hbm>>) target(%arg10 : memref<125x128xf32, #tpu.memory_space<vmem>>) offsets(%dma_start3A_77 : memref<125xi32, #tpu.memory_space<vmem>>) semaphore(%arg12 : memref<!tpu.dma_semaphore, #tpu.memory_space<semaphore_mem>>)
    %scan3A_81 = arith.constant 0 : i32
    %scan3A_82 = arith.constant 0 : i32
    %scan3A_83 = arith.constant 5 : i32
    %scan3A_84 = arith.addi %scan3A_82, %scan3A_83 : i32
    %scan3A_85 = arith.constant 1 : i32
    scf.for %scan3A_104 = %scan3A_82 to %scan3A_84 step %scan3A_85  : i32 {
      %mul3A_105 = arith.constant 2 : i32
      %mul3A_106 = arith.muli %mul3A_105, %scan3A_104 : i32
      %add3A_107 = arith.constant 0 : i32
      %add3A_108 = arith.addi %mul3A_106, %add3A_107 : i32
      %mul3A_109 = arith.constant 8 : i32
      %mul3A_110 = arith.muli %add3A_108, %mul3A_109 : i32
      %add3A_111 = arith.constant 0 : i32
      %add3A_112 = arith.addi %mul3A_110, %add3A_111 : i32
      %dma_wait3A_113 = arith.constant 0 : i32
      %dma_wait3A_114 = arith.constant 0 : i32
      %dma_wait3A_115 = arith.constant 0 : i32
      %dma_wait3A_116 = tpu.memref_slice %arg7[%dma_wait3A_113, %dma_wait3A_114, %dma_wait3A_115] : memref<2x8x125xi32, #tpu.memory_space<vmem>> -> memref<1x1x125xi32, #tpu.memory_space<vmem>>
      %dma_wait3A_117 = tpu.memref_squeeze %dma_wait3A_116 : memref<1x1x125xi32, #tpu.memory_space<vmem>> -> memref<125xi32, #tpu.memory_space<vmem>>
      %dma_wait3A_118 = arith.constant 0 : i32
      %dma_wait3A_119 = arith.constant 0 : i32
      %dma_wait3A_120 = tpu.memref_slice %arg2[%dma_wait3A_118, %dma_wait3A_119] : memref<10000x128xf32, #tpu.memory_space<hbm>> -> memref<10000x128xf32, #tpu.memory_space<hbm>>
      tpu.wait_indirect_dma semaphore(%arg11 : memref<!tpu.dma_semaphore, #tpu.memory_space<semaphore_mem>>) src(%dma_wait3A_120 : memref<10000x128xf32, #tpu.memory_space<hbm>>) dst(%arg9 : memref<125x128xf32, #tpu.memory_space<vmem>>)
      "tpu.region"() ({
        %run_scoped3A = tpu.sem_alloc : memref<!tpu.dma_semaphore, #tpu.memory_space<semaphore_mem>>
        %dma_start3A_481 = arith.constant 0 : i32
        %dma_start3A_482 = tpu.memref_slice %arg8[%add3A_112, %dma_start3A_481] : memref<80x125xi32, #tpu.memory_space<vmem>> -> memref<1x125xi32, #tpu.memory_space<vmem>>
        %dma_start3A_483 = tpu.memref_squeeze %dma_start3A_482 : memref<1x125xi32, #tpu.memory_space<vmem>> -> memref<125xi32, #tpu.memory_space<vmem>>
        %dma_start3A_484 = arith.constant 0 : i32
        %dma_start3A_485 = arith.constant 0 : i32
        %dma_start3A_486 = tpu.memref_slice %arg6[%dma_start3A_484, %dma_start3A_485] : memref<10112x128xf32, #tpu.memory_space<vmem_shared>> -> memref<10112x128xf32, #tpu.memory_space<vmem_shared>>
        tpu.enqueue_indirect_dma source(%arg9 : memref<125x128xf32, #tpu.memory_space<vmem>>) target(%dma_start3A_486 : memref<10112x128xf32, #tpu.memory_space<vmem_shared>>) offsets(%dma_start3A_483 : memref<125xi32, #tpu.memory_space<vmem>>) semaphore(%run_scoped3A : memref<!tpu.dma_semaphore, #tpu.memory_space<semaphore_mem>>) {add = true}
        %dma_wait3A_487 = arith.constant 0 : i32
        %dma_wait3A_488 = tpu.memref_slice %arg8[%add3A_112, %dma_wait3A_487] : memref<80x125xi32, #tpu.memory_space<vmem>> -> memref<1x125xi32, #tpu.memory_space<vmem>>
        %dma_wait3A_489 = tpu.memref_squeeze %dma_wait3A_488 : memref<1x125xi32, #tpu.memory_space<vmem>> -> memref<125xi32, #tpu.memory_space<vmem>>
        %dma_wait3A_490 = arith.constant 0 : i32
        %dma_wait3A_491 = arith.constant 0 : i32
        %dma_wait3A_492 = tpu.memref_slice %arg6[%dma_wait3A_490, %dma_wait3A_491] : memref<10112x128xf32, #tpu.memory_space<vmem_shared>> -> memref<10112x128xf32, #tpu.memory_space<vmem_shared>>
        tpu.wait_indirect_dma semaphore(%run_scoped3A : memref<!tpu.dma_semaphore, #tpu.memory_space<semaphore_mem>>) src(%arg9 : memref<125x128xf32, #tpu.memory_space<vmem>>) dst(%dma_wait3A_492 : memref<10112x128xf32, #tpu.memory_space<vmem_shared>>)
        tpu.yield
      }) : () -> ()
      %dma_start3A_121 = arith.constant 0 : i32
      %dma_start3A_122 = arith.constant 2 : i32
      %dma_start3A_123 = arith.constant 0 : i32
      %dma_start3A_124 = tpu.memref_slice %arg7[%dma_start3A_121, %dma_start3A_122, %dma_start3A_123] : memref<2x8x125xi32, #tpu.memory_space<vmem>> -> memref<1x1x125xi32, #tpu.memory_space<vmem>>
      %dma_start3A_125 = tpu.memref_squeeze %dma_start3A_124 : memref<1x1x125xi32, #tpu.memory_space<vmem>> -> memref<125xi32, #tpu.memory_space<vmem>>
      %dma_start3A_126 = arith.constant 0 : i32
      %dma_start3A_127 = arith.constant 0 : i32
      %dma_start3A_128 = tpu.memref_slice %arg2[%dma_start3A_126, %dma_start3A_127] : memref<10000x128xf32, #tpu.memory_space<hbm>> -> memref<10000x128xf32, #tpu.memory_space<hbm>>
      tpu.enqueue_indirect_dma source(%dma_start3A_128 : memref<10000x128xf32, #tpu.memory_space<hbm>>) target(%arg9 : memref<125x128xf32, #tpu.memory_space<vmem>>) offsets(%dma_start3A_125 : memref<125xi32, #tpu.memory_space<vmem>>) semaphore(%arg11 : memref<!tpu.dma_semaphore, #tpu.memory_space<semaphore_mem>>)
      %mul3A_129 = arith.constant 8 : i32
      %mul3A_130 = arith.muli %add3A_108, %mul3A_129 : i32
      %add3A_131 = arith.constant 1 : i32
      %add3A_132 = arith.addi %mul3A_130, %add3A_131 : i32
      %dma_wait3A_133 = arith.constant 0 : i32
      %dma_wait3A_134 = arith.constant 1 : i32
      %dma_wait3A_135 = arith.constant 0 : i32
      %dma_wait3A_136 = tpu.memref_slice %arg7[%dma_wait3A_133, %dma_wait3A_134, %dma_wait3A_135] : memref<2x8x125xi32, #tpu.memory_space<vmem>> -> memref<1x1x125xi32, #tpu.memory_space<vmem>>
      %dma_wait3A_137 = tpu.memref_squeeze %dma_wait3A_136 : memref<1x1x125xi32, #tpu.memory_space<vmem>> -> memref<125xi32, #tpu.memory_space<vmem>>
      %dma_wait3A_138 = arith.constant 0 : i32
      %dma_wait3A_139 = arith.constant 0 : i32
      %dma_wait3A_140 = tpu.memref_slice %arg2[%dma_wait3A_138, %dma_wait3A_139] : memref<10000x128xf32, #tpu.memory_space<hbm>> -> memref<10000x128xf32, #tpu.memory_space<hbm>>
      tpu.wait_indirect_dma semaphore(%arg12 : memref<!tpu.dma_semaphore, #tpu.memory_space<semaphore_mem>>) src(%dma_wait3A_140 : memref<10000x128xf32, #tpu.memory_space<hbm>>) dst(%arg10 : memref<125x128xf32, #tpu.memory_space<vmem>>)
      "tpu.region"() ({
        %run_scoped3A = tpu.sem_alloc : memref<!tpu.dma_semaphore, #tpu.memory_space<semaphore_mem>>
        %dma_start3A_481 = arith.constant 0 : i32
        %dma_start3A_482 = tpu.memref_slice %arg8[%add3A_132, %dma_start3A_481] : memref<80x125xi32, #tpu.memory_space<vmem>> -> memref<1x125xi32, #tpu.memory_space<vmem>>
        %dma_start3A_483 = tpu.memref_squeeze %dma_start3A_482 : memref<1x125xi32, #tpu.memory_space<vmem>> -> memref<125xi32, #tpu.memory_space<vmem>>
        %dma_start3A_484 = arith.constant 0 : i32
        %dma_start3A_485 = arith.constant 0 : i32
        %dma_start3A_486 = tpu.memref_slice %arg6[%dma_start3A_484, %dma_start3A_485] : memref<10112x128xf32, #tpu.memory_space<vmem_shared>> -> memref<10112x128xf32, #tpu.memory_space<vmem_shared>>
        tpu.enqueue_indirect_dma source(%arg10 : memref<125x128xf32, #tpu.memory_space<vmem>>) target(%dma_start3A_486 : memref<10112x128xf32, #tpu.memory_space<vmem_shared>>) offsets(%dma_start3A_483 : memref<125xi32, #tpu.memory_space<vmem>>) semaphore(%run_scoped3A : memref<!tpu.dma_semaphore, #tpu.memory_space<semaphore_mem>>) {add = true}
        %dma_wait3A_487 = arith.constant 0 : i32
        %dma_wait3A_488 = tpu.memref_slice %arg8[%add3A_132, %dma_wait3A_487] : memref<80x125xi32, #tpu.memory_space<vmem>> -> memref<1x125xi32, #tpu.memory_space<vmem>>
        %dma_wait3A_489 = tpu.memref_squeeze %dma_wait3A_488 : memref<1x125xi32, #tpu.memory_space<vmem>> -> memref<125xi32, #tpu.memory_space<vmem>>
        %dma_wait3A_490 = arith.constant 0 : i32
        %dma_wait3A_491 = arith.constant 0 : i32
        %dma_wait3A_492 = tpu.memref_slice %arg6[%dma_wait3A_490, %dma_wait3A_491] : memref<10112x128xf32, #tpu.memory_space<vmem_shared>> -> memref<10112x128xf32, #tpu.memory_space<vmem_shared>>
        tpu.wait_indirect_dma semaphore(%run_scoped3A : memref<!tpu.dma_semaphore, #tpu.memory_space<semaphore_mem>>) src(%arg10 : memref<125x128xf32, #tpu.memory_space<vmem>>) dst(%dma_wait3A_492 : memref<10112x128xf32, #tpu.memory_space<vmem_shared>>)
        tpu.yield
      }) : () -> ()
      %dma_start3A_141 = arith.constant 0 : i32
      %dma_start3A_142 = arith.constant 3 : i32
      %dma_start3A_143 = arith.constant 0 : i32
      %dma_start3A_144 = tpu.memref_slice %arg7[%dma_start3A_141, %dma_start3A_142, %dma_start3A_143] : memref<2x8x125xi32, #tpu.memory_space<vmem>> -> memref<1x1x125xi32, #tpu.memory_space<vmem>>
      %dma_start3A_145 = tpu.memref_squeeze %dma_start3A_144 : memref<1x1x125xi32, #tpu.memory_space<vmem>> -> memref<125xi32, #tpu.memory_space<vmem>>
      %dma_start3A_146 = arith.constant 0 : i32
      %dma_start3A_147 = arith.constant 0 : i32
      %dma_start3A_148 = tpu.memref_slice %arg2[%dma_start3A_146, %dma_start3A_147] : memref<10000x128xf32, #tpu.memory_space<hbm>> -> memref<10000x128xf32, #tpu.memory_space<hbm>>
      tpu.enqueue_indirect_dma source(%dma_start3A_148 : memref<10000x128xf32, #tpu.memory_space<hbm>>) target(%arg10 : memref<125x128xf32, #tpu.memory_space<vmem>>) offsets(%dma_start3A_145 : memref<125xi32, #tpu.memory_space<vmem>>) semaphore(%arg12 : memref<!tpu.dma_semaphore, #tpu.memory_space<semaphore_mem>>)
      %mul3A_149 = arith.constant 8 : i32
      %mul3A_150 = arith.muli %add3A_108, %mul3A_149 : i32
      %add3A_151 = arith.constant 2 : i32
      %add3A_152 = arith.addi %mul3A_150, %add3A_151 : i32
      %dma_wait3A_153 = arith.constant 0 : i32
      %dma_wait3A_154 = arith.constant 2 : i32
      %dma_wait3A_155 = arith.constant 0 : i32
      %dma_wait3A_156 = tpu.memref_slice %arg7[%dma_wait3A_153, %dma_wait3A_154, %dma_wait3A_155] : memref<2x8x125xi32, #tpu.memory_space<vmem>> -> memref<1x1x125xi32, #tpu.memory_space<vmem>>
      %dma_wait3A_157 = tpu.memref_squeeze %dma_wait3A_156 : memref<1x1x125xi32, #tpu.memory_space<vmem>> -> memref<125xi32, #tpu.memory_space<vmem>>
      %dma_wait3A_158 = arith.constant 0 : i32
      %dma_wait3A_159 = arith.constant 0 : i32
      %dma_wait3A_160 = tpu.memref_slice %arg2[%dma_wait3A_158, %dma_wait3A_159] : memref<10000x128xf32, #tpu.memory_space<hbm>> -> memref<10000x128xf32, #tpu.memory_space<hbm>>
      tpu.wait_indirect_dma semaphore(%arg11 : memref<!tpu.dma_semaphore, #tpu.memory_space<semaphore_mem>>) src(%dma_wait3A_160 : memref<10000x128xf32, #tpu.memory_space<hbm>>) dst(%arg9 : memref<125x128xf32, #tpu.memory_space<vmem>>)
      "tpu.region"() ({
        %run_scoped3A = tpu.sem_alloc : memref<!tpu.dma_semaphore, #tpu.memory_space<semaphore_mem>>
        %dma_start3A_481 = arith.constant 0 : i32
        %dma_start3A_482 = tpu.memref_slice %arg8[%add3A_152, %dma_start3A_481] : memref<80x125xi32, #tpu.memory_space<vmem>> -> memref<1x125xi32, #tpu.memory_space<vmem>>
        %dma_start3A_483 = tpu.memref_squeeze %dma_start3A_482 : memref<1x125xi32, #tpu.memory_space<vmem>> -> memref<125xi32, #tpu.memory_space<vmem>>
        %dma_start3A_484 = arith.constant 0 : i32
        %dma_start3A_485 = arith.constant 0 : i32
        %dma_start3A_486 = tpu.memref_slice %arg6[%dma_start3A_484, %dma_start3A_485] : memref<10112x128xf32, #tpu.memory_space<vmem_shared>> -> memref<10112x128xf32, #tpu.memory_space<vmem_shared>>
        tpu.enqueue_indirect_dma source(%arg9 : memref<125x128xf32, #tpu.memory_space<vmem>>) target(%dma_start3A_486 : memref<10112x128xf32, #tpu.memory_space<vmem_shared>>) offsets(%dma_start3A_483 : memref<125xi32, #tpu.memory_space<vmem>>) semaphore(%run_scoped3A : memref<!tpu.dma_semaphore, #tpu.memory_space<semaphore_mem>>) {add = true}
        %dma_wait3A_487 = arith.constant 0 : i32
        %dma_wait3A_488 = tpu.memref_slice %arg8[%add3A_152, %dma_wait3A_487] : memref<80x125xi32, #tpu.memory_space<vmem>> -> memref<1x125xi32, #tpu.memory_space<vmem>>
        %dma_wait3A_489 = tpu.memref_squeeze %dma_wait3A_488 : memref<1x125xi32, #tpu.memory_space<vmem>> -> memref<125xi32, #tpu.memory_space<vmem>>
        %dma_wait3A_490 = arith.constant 0 : i32
        %dma_wait3A_491 = arith.constant 0 : i32
        %dma_wait3A_492 = tpu.memref_slice %arg6[%dma_wait3A_490, %dma_wait3A_491] : memref<10112x128xf32, #tpu.memory_space<vmem_shared>> -> memref<10112x128xf32, #tpu.memory_space<vmem_shared>>
        tpu.wait_indirect_dma semaphore(%run_scoped3A : memref<!tpu.dma_semaphore, #tpu.memory_space<semaphore_mem>>) src(%arg9 : memref<125x128xf32, #tpu.memory_space<vmem>>) dst(%dma_wait3A_492 : memref<10112x128xf32, #tpu.memory_space<vmem_shared>>)
        tpu.yield
      }) : () -> ()
      %dma_start3A_161 = arith.constant 0 : i32
      %dma_start3A_162 = arith.constant 4 : i32
      %dma_start3A_163 = arith.constant 0 : i32
      %dma_start3A_164 = tpu.memref_slice %arg7[%dma_start3A_161, %dma_start3A_162, %dma_start3A_163] : memref<2x8x125xi32, #tpu.memory_space<vmem>> -> memref<1x1x125xi32, #tpu.memory_space<vmem>>
      %dma_start3A_165 = tpu.memref_squeeze %dma_start3A_164 : memref<1x1x125xi32, #tpu.memory_space<vmem>> -> memref<125xi32, #tpu.memory_space<vmem>>
      %dma_start3A_166 = arith.constant 0 : i32
      %dma_start3A_167 = arith.constant 0 : i32
      %dma_start3A_168 = tpu.memref_slice %arg2[%dma_start3A_166, %dma_start3A_167] : memref<10000x128xf32, #tpu.memory_space<hbm>> -> memref<10000x128xf32, #tpu.memory_space<hbm>>
      tpu.enqueue_indirect_dma source(%dma_start3A_168 : memref<10000x128xf32, #tpu.memory_space<hbm>>) target(%arg9 : memref<125x128xf32, #tpu.memory_space<vmem>>) offsets(%dma_start3A_165 : memref<125xi32, #tpu.memory_space<vmem>>) semaphore(%arg11 : memref<!tpu.dma_semaphore, #tpu.memory_space<semaphore_mem>>)
      %mul3A_169 = arith.constant 8 : i32
      %mul3A_170 = arith.muli %add3A_108, %mul3A_169 : i32
      %add3A_171 = arith.constant 3 : i32
      %add3A_172 = arith.addi %mul3A_170, %add3A_171 : i32
      %dma_wait3A_173 = arith.constant 0 : i32
      %dma_wait3A_174 = arith.constant 3 : i32
      %dma_wait3A_175 = arith.constant 0 : i32
      %dma_wait3A_176 = tpu.memref_slice %arg7[%dma_wait3A_173, %dma_wait3A_174, %dma_wait3A_175] : memref<2x8x125xi32, #tpu.memory_space<vmem>> -> memref<1x1x125xi32, #tpu.memory_space<vmem>>
      %dma_wait3A_177 = tpu.memref_squeeze %dma_wait3A_176 : memref<1x1x125xi32, #tpu.memory_space<vmem>> -> memref<125xi32, #tpu.memory_space<vmem>>
      %dma_wait3A_178 = arith.constant 0 : i32
      %dma_wait3A_179 = arith.constant 0 : i32
      %dma_wait3A_180 = tpu.memref_slice %arg2[%dma_wait3A_178, %dma_wait3A_179] : memref<10000x128xf32, #tpu.memory_space<hbm>> -> memref<10000x128xf32, #tpu.memory_space<hbm>>
      tpu.wait_indirect_dma semaphore(%arg12 : memref<!tpu.dma_semaphore, #tpu.memory_space<semaphore_mem>>) src(%dma_wait3A_180 : memref<10000x128xf32, #tpu.memory_space<hbm>>) dst(%arg10 : memref<125x128xf32, #tpu.memory_space<vmem>>)
      "tpu.region"() ({
        %run_scoped3A = tpu.sem_alloc : memref<!tpu.dma_semaphore, #tpu.memory_space<semaphore_mem>>
        %dma_start3A_481 = arith.constant 0 : i32
        %dma_start3A_482 = tpu.memref_slice %arg8[%add3A_172, %dma_start3A_481] : memref<80x125xi32, #tpu.memory_space<vmem>> -> memref<1x125xi32, #tpu.memory_space<vmem>>
        %dma_start3A_483 = tpu.memref_squeeze %dma_start3A_482 : memref<1x125xi32, #tpu.memory_space<vmem>> -> memref<125xi32, #tpu.memory_space<vmem>>
        %dma_start3A_484 = arith.constant 0 : i32
        %dma_start3A_485 = arith.constant 0 : i32
        %dma_start3A_486 = tpu.memref_slice %arg6[%dma_start3A_484, %dma_start3A_485] : memref<10112x128xf32, #tpu.memory_space<vmem_shared>> -> memref<10112x128xf32, #tpu.memory_space<vmem_shared>>
        tpu.enqueue_indirect_dma source(%arg10 : memref<125x128xf32, #tpu.memory_space<vmem>>) target(%dma_start3A_486 : memref<10112x128xf32, #tpu.memory_space<vmem_shared>>) offsets(%dma_start3A_483 : memref<125xi32, #tpu.memory_space<vmem>>) semaphore(%run_scoped3A : memref<!tpu.dma_semaphore, #tpu.memory_space<semaphore_mem>>) {add = true}
        %dma_wait3A_487 = arith.constant 0 : i32
        %dma_wait3A_488 = tpu.memref_slice %arg8[%add3A_172, %dma_wait3A_487] : memref<80x125xi32, #tpu.memory_space<vmem>> -> memref<1x125xi32, #tpu.memory_space<vmem>>
        %dma_wait3A_489 = tpu.memref_squeeze %dma_wait3A_488 : memref<1x125xi32, #tpu.memory_space<vmem>> -> memref<125xi32, #tpu.memory_space<vmem>>
        %dma_wait3A_490 = arith.constant 0 : i32
        %dma_wait3A_491 = arith.constant 0 : i32
        %dma_wait3A_492 = tpu.memref_slice %arg6[%dma_wait3A_490, %dma_wait3A_491] : memref<10112x128xf32, #tpu.memory_space<vmem_shared>> -> memref<10112x128xf32, #tpu.memory_space<vmem_shared>>
        tpu.wait_indirect_dma semaphore(%run_scoped3A : memref<!tpu.dma_semaphore, #tpu.memory_space<semaphore_mem>>) src(%arg10 : memref<125x128xf32, #tpu.memory_space<vmem>>) dst(%dma_wait3A_492 : memref<10112x128xf32, #tpu.memory_space<vmem_shared>>)
        tpu.yield
      }) : () -> ()
      %dma_start3A_181 = arith.constant 0 : i32
      %dma_start3A_182 = arith.constant 5 : i32
      %dma_start3A_183 = arith.constant 0 : i32
      %dma_start3A_184 = tpu.memref_slice %arg7[%dma_start3A_181, %dma_start3A_182, %dma_start3A_183] : memref<2x8x125xi32, #tpu.memory_space<vmem>> -> memref<1x1x125xi32, #tpu.memory_space<vmem>>
      %dma_start3A_185 = tpu.memref_squeeze %dma_start3A_184 : memref<1x1x125xi32, #tpu.memory_space<vmem>> -> memref<125xi32, #tpu.memory_space<vmem>>
      %dma_start3A_186 = arith.constant 0 : i32
      %dma_start3A_187 = arith.constant 0 : i32
      %dma_start3A_188 = tpu.memref_slice %arg2[%dma_start3A_186, %dma_start3A_187] : memref<10000x128xf32, #tpu.memory_space<hbm>> -> memref<10000x128xf32, #tpu.memory_space<hbm>>
      tpu.enqueue_indirect_dma source(%dma_start3A_188 : memref<10000x128xf32, #tpu.memory_space<hbm>>) target(%arg10 : memref<125x128xf32, #tpu.memory_space<vmem>>) offsets(%dma_start3A_185 : memref<125xi32, #tpu.memory_space<vmem>>) semaphore(%arg12 : memref<!tpu.dma_semaphore, #tpu.memory_space<semaphore_mem>>)
      %mul3A_189 = arith.constant 8 : i32
      %mul3A_190 = arith.muli %add3A_108, %mul3A_189 : i32
      %add3A_191 = arith.constant 4 : i32
      %add3A_192 = arith.addi %mul3A_190, %add3A_191 : i32
      %dma_wait3A_193 = arith.constant 0 : i32
      %dma_wait3A_194 = arith.constant 4 : i32
      %dma_wait3A_195 = arith.constant 0 : i32
      %dma_wait3A_196 = tpu.memref_slice %arg7[%dma_wait3A_193, %dma_wait3A_194, %dma_wait3A_195] : memref<2x8x125xi32, #tpu.memory_space<vmem>> -> memref<1x1x125xi32, #tpu.memory_space<vmem>>
      %dma_wait3A_197 = tpu.memref_squeeze %dma_wait3A_196 : memref<1x1x125xi32, #tpu.memory_space<vmem>> -> memref<125xi32, #tpu.memory_space<vmem>>
      %dma_wait3A_198 = arith.constant 0 : i32
      %dma_wait3A_199 = arith.constant 0 : i32
      %dma_wait3A_200 = tpu.memref_slice %arg2[%dma_wait3A_198, %dma_wait3A_199] : memref<10000x128xf32, #tpu.memory_space<hbm>> -> memref<10000x128xf32, #tpu.memory_space<hbm>>
      tpu.wait_indirect_dma semaphore(%arg11 : memref<!tpu.dma_semaphore, #tpu.memory_space<semaphore_mem>>) src(%dma_wait3A_200 : memref<10000x128xf32, #tpu.memory_space<hbm>>) dst(%arg9 : memref<125x128xf32, #tpu.memory_space<vmem>>)
      "tpu.region"() ({
        %run_scoped3A = tpu.sem_alloc : memref<!tpu.dma_semaphore, #tpu.memory_space<semaphore_mem>>
        %dma_start3A_481 = arith.constant 0 : i32
        %dma_start3A_482 = tpu.memref_slice %arg8[%add3A_192, %dma_start3A_481] : memref<80x125xi32, #tpu.memory_space<vmem>> -> memref<1x125xi32, #tpu.memory_space<vmem>>
        %dma_start3A_483 = tpu.memref_squeeze %dma_start3A_482 : memref<1x125xi32, #tpu.memory_space<vmem>> -> memref<125xi32, #tpu.memory_space<vmem>>
        %dma_start3A_484 = arith.constant 0 : i32
        %dma_start3A_485 = arith.constant 0 : i32
        %dma_start3A_486 = tpu.memref_slice %arg6[%dma_start3A_484, %dma_start3A_485] : memref<10112x128xf32, #tpu.memory_space<vmem_shared>> -> memref<10112x128xf32, #tpu.memory_space<vmem_shared>>
        tpu.enqueue_indirect_dma source(%arg9 : memref<125x128xf32, #tpu.memory_space<vmem>>) target(%dma_start3A_486 : memref<10112x128xf32, #tpu.memory_space<vmem_shared>>) offsets(%dma_start3A_483 : memref<125xi32, #tpu.memory_space<vmem>>) semaphore(%run_scoped3A : memref<!tpu.dma_semaphore, #tpu.memory_space<semaphore_mem>>) {add = true}
        %dma_wait3A_487 = arith.constant 0 : i32
        %dma_wait3A_488 = tpu.memref_slice %arg8[%add3A_192, %dma_wait3A_487] : memref<80x125xi32, #tpu.memory_space<vmem>> -> memref<1x125xi32, #tpu.memory_space<vmem>>
        %dma_wait3A_489 = tpu.memref_squeeze %dma_wait3A_488 : memref<1x125xi32, #tpu.memory_space<vmem>> -> memref<125xi32, #tpu.memory_space<vmem>>
        %dma_wait3A_490 = arith.constant 0 : i32
        %dma_wait3A_491 = arith.constant 0 : i32
        %dma_wait3A_492 = tpu.memref_slice %arg6[%dma_wait3A_490, %dma_wait3A_491] : memref<10112x128xf32, #tpu.memory_space<vmem_shared>> -> memref<10112x128xf32, #tpu.memory_space<vmem_shared>>
        tpu.wait_indirect_dma semaphore(%run_scoped3A : memref<!tpu.dma_semaphore, #tpu.memory_space<semaphore_mem>>) src(%arg9 : memref<125x128xf32, #tpu.memory_space<vmem>>) dst(%dma_wait3A_492 : memref<10112x128xf32, #tpu.memory_space<vmem_shared>>)
        tpu.yield
      }) : () -> ()
      %dma_start3A_201 = arith.constant 0 : i32
      %dma_start3A_202 = arith.constant 6 : i32
      %dma_start3A_203 = arith.constant 0 : i32
      %dma_start3A_204 = tpu.memref_slice %arg7[%dma_start3A_201, %dma_start3A_202, %dma_start3A_203] : memref<2x8x125xi32, #tpu.memory_space<vmem>> -> memref<1x1x125xi32, #tpu.memory_space<vmem>>
      %dma_start3A_205 = tpu.memref_squeeze %dma_start3A_204 : memref<1x1x125xi32, #tpu.memory_space<vmem>> -> memref<125xi32, #tpu.memory_space<vmem>>
      %dma_start3A_206 = arith.constant 0 : i32
      %dma_start3A_207 = arith.constant 0 : i32
      %dma_start3A_208 = tpu.memref_slice %arg2[%dma_start3A_206, %dma_start3A_207] : memref<10000x128xf32, #tpu.memory_space<hbm>> -> memref<10000x128xf32, #tpu.memory_space<hbm>>
      tpu.enqueue_indirect_dma source(%dma_start3A_208 : memref<10000x128xf32, #tpu.memory_space<hbm>>) target(%arg9 : memref<125x128xf32, #tpu.memory_space<vmem>>) offsets(%dma_start3A_205 : memref<125xi32, #tpu.memory_space<vmem>>) semaphore(%arg11 : memref<!tpu.dma_semaphore, #tpu.memory_space<semaphore_mem>>)
      %mul3A_209 = arith.constant 8 : i32
      %mul3A_210 = arith.muli %add3A_108, %mul3A_209 : i32
      %add3A_211 = arith.constant 5 : i32
      %add3A_212 = arith.addi %mul3A_210, %add3A_211 : i32
      %dma_wait3A_213 = arith.constant 0 : i32
      %dma_wait3A_214 = arith.constant 5 : i32
      %dma_wait3A_215 = arith.constant 0 : i32
      %dma_wait3A_216 = tpu.memref_slice %arg7[%dma_wait3A_213, %dma_wait3A_214, %dma_wait3A_215] : memref<2x8x125xi32, #tpu.memory_space<vmem>> -> memref<1x1x125xi32, #tpu.memory_space<vmem>>
      %dma_wait3A_217 = tpu.memref_squeeze %dma_wait3A_216 : memref<1x1x125xi32, #tpu.memory_space<vmem>> -> memref<125xi32, #tpu.memory_space<vmem>>
      %dma_wait3A_218 = arith.constant 0 : i32
      %dma_wait3A_219 = arith.constant 0 : i32
      %dma_wait3A_220 = tpu.memref_slice %arg2[%dma_wait3A_218, %dma_wait3A_219] : memref<10000x128xf32, #tpu.memory_space<hbm>> -> memref<10000x128xf32, #tpu.memory_space<hbm>>
      tpu.wait_indirect_dma semaphore(%arg12 : memref<!tpu.dma_semaphore, #tpu.memory_space<semaphore_mem>>) src(%dma_wait3A_220 : memref<10000x128xf32, #tpu.memory_space<hbm>>) dst(%arg10 : memref<125x128xf32, #tpu.memory_space<vmem>>)
      "tpu.region"() ({
        %run_scoped3A = tpu.sem_alloc : memref<!tpu.dma_semaphore, #tpu.memory_space<semaphore_mem>>
        %dma_start3A_481 = arith.constant 0 : i32
        %dma_start3A_482 = tpu.memref_slice %arg8[%add3A_212, %dma_start3A_481] : memref<80x125xi32, #tpu.memory_space<vmem>> -> memref<1x125xi32, #tpu.memory_space<vmem>>
        %dma_start3A_483 = tpu.memref_squeeze %dma_start3A_482 : memref<1x125xi32, #tpu.memory_space<vmem>> -> memref<125xi32, #tpu.memory_space<vmem>>
        %dma_start3A_484 = arith.constant 0 : i32
        %dma_start3A_485 = arith.constant 0 : i32
        %dma_start3A_486 = tpu.memref_slice %arg6[%dma_start3A_484, %dma_start3A_485] : memref<10112x128xf32, #tpu.memory_space<vmem_shared>> -> memref<10112x128xf32, #tpu.memory_space<vmem_shared>>
        tpu.enqueue_indirect_dma source(%arg10 : memref<125x128xf32, #tpu.memory_space<vmem>>) target(%dma_start3A_486 : memref<10112x128xf32, #tpu.memory_space<vmem_shared>>) offsets(%dma_start3A_483 : memref<125xi32, #tpu.memory_space<vmem>>) semaphore(%run_scoped3A : memref<!tpu.dma_semaphore, #tpu.memory_space<semaphore_mem>>) {add = true}
        %dma_wait3A_487 = arith.constant 0 : i32
        %dma_wait3A_488 = tpu.memref_slice %arg8[%add3A_212, %dma_wait3A_487] : memref<80x125xi32, #tpu.memory_space<vmem>> -> memref<1x125xi32, #tpu.memory_space<vmem>>
        %dma_wait3A_489 = tpu.memref_squeeze %dma_wait3A_488 : memref<1x125xi32, #tpu.memory_space<vmem>> -> memref<125xi32, #tpu.memory_space<vmem>>
        %dma_wait3A_490 = arith.constant 0 : i32
        %dma_wait3A_491 = arith.constant 0 : i32
        %dma_wait3A_492 = tpu.memref_slice %arg6[%dma_wait3A_490, %dma_wait3A_491] : memref<10112x128xf32, #tpu.memory_space<vmem_shared>> -> memref<10112x128xf32, #tpu.memory_space<vmem_shared>>
        tpu.wait_indirect_dma semaphore(%run_scoped3A : memref<!tpu.dma_semaphore, #tpu.memory_space<semaphore_mem>>) src(%arg10 : memref<125x128xf32, #tpu.memory_space<vmem>>) dst(%dma_wait3A_492 : memref<10112x128xf32, #tpu.memory_space<vmem_shared>>)
        tpu.yield
      }) : () -> ()
      %dma_start3A_221 = arith.constant 0 : i32
      %dma_start3A_222 = arith.constant 7 : i32
      %dma_start3A_223 = arith.constant 0 : i32
      %dma_start3A_224 = tpu.memref_slice %arg7[%dma_start3A_221, %dma_start3A_222, %dma_start3A_223] : memref<2x8x125xi32, #tpu.memory_space<vmem>> -> memref<1x1x125xi32, #tpu.memory_space<vmem>>
      %dma_start3A_225 = tpu.memref_squeeze %dma_start3A_224 : memref<1x1x125xi32, #tpu.memory_space<vmem>> -> memref<125xi32, #tpu.memory_space<vmem>>
      %dma_start3A_226 = arith.constant 0 : i32
      %dma_start3A_227 = arith.constant 0 : i32
      %dma_start3A_228 = tpu.memref_slice %arg2[%dma_start3A_226, %dma_start3A_227] : memref<10000x128xf32, #tpu.memory_space<hbm>> -> memref<10000x128xf32, #tpu.memory_space<hbm>>
      tpu.enqueue_indirect_dma source(%dma_start3A_228 : memref<10000x128xf32, #tpu.memory_space<hbm>>) target(%arg10 : memref<125x128xf32, #tpu.memory_space<vmem>>) offsets(%dma_start3A_225 : memref<125xi32, #tpu.memory_space<vmem>>) semaphore(%arg12 : memref<!tpu.dma_semaphore, #tpu.memory_space<semaphore_mem>>)
      %mul3A_229 = arith.constant 8 : i32
      %mul3A_230 = arith.muli %add3A_108, %mul3A_229 : i32
      %add3A_231 = arith.constant 6 : i32
      %add3A_232 = arith.addi %mul3A_230, %add3A_231 : i32
      %dma_wait3A_233 = arith.constant 0 : i32
      %dma_wait3A_234 = arith.constant 6 : i32
      %dma_wait3A_235 = arith.constant 0 : i32
      %dma_wait3A_236 = tpu.memref_slice %arg7[%dma_wait3A_233, %dma_wait3A_234, %dma_wait3A_235] : memref<2x8x125xi32, #tpu.memory_space<vmem>> -> memref<1x1x125xi32, #tpu.memory_space<vmem>>
      %dma_wait3A_237 = tpu.memref_squeeze %dma_wait3A_236 : memref<1x1x125xi32, #tpu.memory_space<vmem>> -> memref<125xi32, #tpu.memory_space<vmem>>
      %dma_wait3A_238 = arith.constant 0 : i32
      %dma_wait3A_239 = arith.constant 0 : i32
      %dma_wait3A_240 = tpu.memref_slice %arg2[%dma_wait3A_238, %dma_wait3A_239] : memref<10000x128xf32, #tpu.memory_space<hbm>> -> memref<10000x128xf32, #tpu.memory_space<hbm>>
      tpu.wait_indirect_dma semaphore(%arg11 : memref<!tpu.dma_semaphore, #tpu.memory_space<semaphore_mem>>) src(%dma_wait3A_240 : memref<10000x128xf32, #tpu.memory_space<hbm>>) dst(%arg9 : memref<125x128xf32, #tpu.memory_space<vmem>>)
      "tpu.region"() ({
        %run_scoped3A = tpu.sem_alloc : memref<!tpu.dma_semaphore, #tpu.memory_space<semaphore_mem>>
        %dma_start3A_481 = arith.constant 0 : i32
        %dma_start3A_482 = tpu.memref_slice %arg8[%add3A_232, %dma_start3A_481] : memref<80x125xi32, #tpu.memory_space<vmem>> -> memref<1x125xi32, #tpu.memory_space<vmem>>
        %dma_start3A_483 = tpu.memref_squeeze %dma_start3A_482 : memref<1x125xi32, #tpu.memory_space<vmem>> -> memref<125xi32, #tpu.memory_space<vmem>>
        %dma_start3A_484 = arith.constant 0 : i32
        %dma_start3A_485 = arith.constant 0 : i32
        %dma_start3A_486 = tpu.memref_slice %arg6[%dma_start3A_484, %dma_start3A_485] : memref<10112x128xf32, #tpu.memory_space<vmem_shared>> -> memref<10112x128xf32, #tpu.memory_space<vmem_shared>>
        tpu.enqueue_indirect_dma source(%arg9 : memref<125x128xf32, #tpu.memory_space<vmem>>) target(%dma_start3A_486 : memref<10112x128xf32, #tpu.memory_space<vmem_shared>>) offsets(%dma_start3A_483 : memref<125xi32, #tpu.memory_space<vmem>>) semaphore(%run_scoped3A : memref<!tpu.dma_semaphore, #tpu.memory_space<semaphore_mem>>) {add = true}
        %dma_wait3A_487 = arith.constant 0 : i32
        %dma_wait3A_488 = tpu.memref_slice %arg8[%add3A_232, %dma_wait3A_487] : memref<80x125xi32, #tpu.memory_space<vmem>> -> memref<1x125xi32, #tpu.memory_space<vmem>>
        %dma_wait3A_489 = tpu.memref_squeeze %dma_wait3A_488 : memref<1x125xi32, #tpu.memory_space<vmem>> -> memref<125xi32, #tpu.memory_space<vmem>>
        %dma_wait3A_490 = arith.constant 0 : i32
        %dma_wait3A_491 = arith.constant 0 : i32
        %dma_wait3A_492 = tpu.memref_slice %arg6[%dma_wait3A_490, %dma_wait3A_491] : memref<10112x128xf32, #tpu.memory_space<vmem_shared>> -> memref<10112x128xf32, #tpu.memory_space<vmem_shared>>
        tpu.wait_indirect_dma semaphore(%run_scoped3A : memref<!tpu.dma_semaphore, #tpu.memory_space<semaphore_mem>>) src(%arg9 : memref<125x128xf32, #tpu.memory_space<vmem>>) dst(%dma_wait3A_492 : memref<10112x128xf32, #tpu.memory_space<vmem_shared>>)
        tpu.yield
      }) : () -> ()
      %add3A_241 = arith.constant 1 : i32
      %add3A_242 = arith.addi %add3A_108, %add3A_241 : i32
      %lt3A = arith.constant 10 : i32
      %lt3A_243 = arith.cmpi slt, %add3A_242, %lt3A : i32
      %convert_element_type3A = arith.extui %lt3A_243 : i1 to i32
      %cond3A = arith.constant 0 : i32
      %cond3A_244 = arith.cmpi ne, %convert_element_type3A, %cond3A : i32
      scf.if %cond3A_244 {
        %dma_wait3A_481 = arith.constant 1 : i32
        %dma_wait3A_482 = arith.constant 0 : i32
        %dma_wait3A_483 = arith.constant 0 : i32
        %dma_wait3A_484 = tpu.memref_slice %arg7[%dma_wait3A_481, %dma_wait3A_482, %dma_wait3A_483] : memref<2x8x125xi32, #tpu.memory_space<vmem>> -> memref<1x8x125xi32, #tpu.memory_space<vmem>>
        %dma_wait3A_485 = tpu.memref_squeeze %dma_wait3A_484 : memref<1x8x125xi32, #tpu.memory_space<vmem>> -> memref<8x125xi32, #tpu.memory_space<vmem>>
        %dma_wait3A_486 = arith.constant 0 : i32
        %dma_wait3A_487 = arith.constant 0 : i32
        %dma_wait3A_488 = tpu.memref_slice %arg3[%dma_wait3A_486, %dma_wait3A_487] : memref<2560x125xi32, #tpu.memory_space<hbm>> -> memref<8x125xi32, #tpu.memory_space<hbm>>
        %dma_wait3A_489 = arith.constant 0 : i32
        %dma_wait3A_490 = arith.constant 0 : i32
        %dma_wait3A_491 = tpu.memref_slice %arg7[%dma_wait3A_481, %dma_wait3A_489, %dma_wait3A_490] : memref<2x8x125xi32, #tpu.memory_space<vmem>> -> memref<1x8x125xi32, #tpu.memory_space<vmem>>
        %dma_wait3A_492 = tpu.memref_squeeze %dma_wait3A_491 : memref<1x8x125xi32, #tpu.memory_space<vmem>> -> memref<8x125xi32, #tpu.memory_space<vmem>>
        %dma_wait3A_493 = arith.constant 0 : i32
        %dma_wait3A_494 = arith.constant 0 : i32
        %dma_wait3A_495 = tpu.memref_slice %arg3[%dma_wait3A_493, %dma_wait3A_494] : memref<2560x125xi32, #tpu.memory_space<hbm>> -> memref<8x125xi32, #tpu.memory_space<hbm>>
        tpu.wait_dma2 semaphore(%arg14 : memref<!tpu.dma_semaphore, #tpu.memory_space<semaphore_mem>>) src(%dma_wait3A_495 : memref<8x125xi32, #tpu.memory_space<hbm>>) dst(%dma_wait3A_492 : memref<8x125xi32, #tpu.memory_space<vmem>>)
      } else {
      }
      %add3A_245 = arith.constant 1 : i32
      %add3A_246 = arith.addi %add3A_108, %add3A_245 : i32
      %lt3A_247 = arith.constant 10 : i32
      %lt3A_248 = arith.cmpi slt, %add3A_246, %lt3A_247 : i32
      %convert_element_type3A_249 = arith.extui %lt3A_248 : i1 to i32
      %cond3A_250 = arith.constant 0 : i32
      %cond3A_251 = arith.cmpi ne, %convert_element_type3A_249, %cond3A_250 : i32
      scf.if %cond3A_251 {
        %dma_start3A_481 = arith.constant 1 : i32
        %dma_start3A_482 = arith.constant 0 : i32
        %dma_start3A_483 = arith.constant 0 : i32
        %dma_start3A_484 = tpu.memref_slice %arg7[%dma_start3A_481, %dma_start3A_482, %dma_start3A_483] : memref<2x8x125xi32, #tpu.memory_space<vmem>> -> memref<1x1x125xi32, #tpu.memory_space<vmem>>
        %dma_start3A_485 = tpu.memref_squeeze %dma_start3A_484 : memref<1x1x125xi32, #tpu.memory_space<vmem>> -> memref<125xi32, #tpu.memory_space<vmem>>
        %dma_start3A_486 = arith.constant 0 : i32
        %dma_start3A_487 = arith.constant 0 : i32
        %dma_start3A_488 = tpu.memref_slice %arg2[%dma_start3A_486, %dma_start3A_487] : memref<10000x128xf32, #tpu.memory_space<hbm>> -> memref<10000x128xf32, #tpu.memory_space<hbm>>
        tpu.enqueue_indirect_dma source(%dma_start3A_488 : memref<10000x128xf32, #tpu.memory_space<hbm>>) target(%arg9 : memref<125x128xf32, #tpu.memory_space<vmem>>) offsets(%dma_start3A_485 : memref<125xi32, #tpu.memory_space<vmem>>) semaphore(%arg11 : memref<!tpu.dma_semaphore, #tpu.memory_space<semaphore_mem>>)
      } else {
      }
      %add3A_252 = arith.constant 1 : i32
      %add3A_253 = arith.addi %add3A_108, %add3A_252 : i32
      %ge3A = arith.constant 10 : i32
      %ge3A_254 = arith.cmpi sge, %add3A_253, %ge3A : i32
      %convert_element_type3A_255 = arith.extui %ge3A_254 : i1 to i32
      %cond3A_256 = arith.constant 0 : i32
      %cond3A_257 = arith.cmpi ne, %convert_element_type3A_255, %cond3A_256 : i32
      scf.if %cond3A_257 {
        %dma_start3A_481 = arith.constant 0 : i32
        %dma_start3A_482 = arith.constant 6 : i32
        %dma_start3A_483 = arith.constant 0 : i32
        %dma_start3A_484 = tpu.memref_slice %arg7[%dma_start3A_481, %dma_start3A_482, %dma_start3A_483] : memref<2x8x125xi32, #tpu.memory_space<vmem>> -> memref<1x1x125xi32, #tpu.memory_space<vmem>>
        %dma_start3A_485 = tpu.memref_squeeze %dma_start3A_484 : memref<1x1x125xi32, #tpu.memory_space<vmem>> -> memref<125xi32, #tpu.memory_space<vmem>>
        %dma_start3A_486 = arith.constant 0 : i32
        %dma_start3A_487 = arith.constant 0 : i32
        %dma_start3A_488 = tpu.memref_slice %arg2[%dma_start3A_486, %dma_start3A_487] : memref<10000x128xf32, #tpu.memory_space<hbm>> -> memref<10000x128xf32, #tpu.memory_space<hbm>>
        tpu.enqueue_indirect_dma source(%dma_start3A_488 : memref<10000x128xf32, #tpu.memory_space<hbm>>) target(%arg9 : memref<125x128xf32, #tpu.memory_space<vmem>>) offsets(%dma_start3A_485 : memref<125xi32, #tpu.memory_space<vmem>>) semaphore(%arg11 : memref<!tpu.dma_semaphore, #tpu.memory_space<semaphore_mem>>)
      } else {
      }
      %mul3A_258 = arith.constant 8 : i32
      %mul3A_259 = arith.muli %add3A_108, %mul3A_258 : i32
      %add3A_260 = arith.constant 7 : i32
      %add3A_261 = arith.addi %mul3A_259, %add3A_260 : i32
      %dma_wait3A_262 = arith.constant 0 : i32
      %dma_wait3A_263 = arith.constant 7 : i32
      %dma_wait3A_264 = arith.constant 0 : i32
      %dma_wait3A_265 = tpu.memref_slice %arg7[%dma_wait3A_262, %dma_wait3A_263, %dma_wait3A_264] : memref<2x8x125xi32, #tpu.memory_space<vmem>> -> memref<1x1x125xi32, #tpu.memory_space<vmem>>
      %dma_wait3A_266 = tpu.memref_squeeze %dma_wait3A_265 : memref<1x1x125xi32, #tpu.memory_space<vmem>> -> memref<125xi32, #tpu.memory_space<vmem>>
      %dma_wait3A_267 = arith.constant 0 : i32
      %dma_wait3A_268 = arith.constant 0 : i32
      %dma_wait3A_269 = tpu.memref_slice %arg2[%dma_wait3A_267, %dma_wait3A_268] : memref<10000x128xf32, #tpu.memory_space<hbm>> -> memref<10000x128xf32, #tpu.memory_space<hbm>>
      tpu.wait_indirect_dma semaphore(%arg12 : memref<!tpu.dma_semaphore, #tpu.memory_space<semaphore_mem>>) src(%dma_wait3A_269 : memref<10000x128xf32, #tpu.memory_space<hbm>>) dst(%arg10 : memref<125x128xf32, #tpu.memory_space<vmem>>)
      "tpu.region"() ({
        %run_scoped3A = tpu.sem_alloc : memref<!tpu.dma_semaphore, #tpu.memory_space<semaphore_mem>>
        %dma_start3A_481 = arith.constant 0 : i32
        %dma_start3A_482 = tpu.memref_slice %arg8[%add3A_261, %dma_start3A_481] : memref<80x125xi32, #tpu.memory_space<vmem>> -> memref<1x125xi32, #tpu.memory_space<vmem>>
        %dma_start3A_483 = tpu.memref_squeeze %dma_start3A_482 : memref<1x125xi32, #tpu.memory_space<vmem>> -> memref<125xi32, #tpu.memory_space<vmem>>
        %dma_start3A_484 = arith.constant 0 : i32
        %dma_start3A_485 = arith.constant 0 : i32
        %dma_start3A_486 = tpu.memref_slice %arg6[%dma_start3A_484, %dma_start3A_485] : memref<10112x128xf32, #tpu.memory_space<vmem_shared>> -> memref<10112x128xf32, #tpu.memory_space<vmem_shared>>
        tpu.enqueue_indirect_dma source(%arg10 : memref<125x128xf32, #tpu.memory_space<vmem>>) target(%dma_start3A_486 : memref<10112x128xf32, #tpu.memory_space<vmem_shared>>) offsets(%dma_start3A_483 : memref<125xi32, #tpu.memory_space<vmem>>) semaphore(%run_scoped3A : memref<!tpu.dma_semaphore, #tpu.memory_space<semaphore_mem>>) {add = true}
        %dma_wait3A_487 = arith.constant 0 : i32
        %dma_wait3A_488 = tpu.memref_slice %arg8[%add3A_261, %dma_wait3A_487] : memref<80x125xi32, #tpu.memory_space<vmem>> -> memref<1x125xi32, #tpu.memory_space<vmem>>
        %dma_wait3A_489 = tpu.memref_squeeze %dma_wait3A_488 : memref<1x125xi32, #tpu.memory_space<vmem>> -> memref<125xi32, #tpu.memory_space<vmem>>
        %dma_wait3A_490 = arith.constant 0 : i32
        %dma_wait3A_491 = arith.constant 0 : i32
        %dma_wait3A_492 = tpu.memref_slice %arg6[%dma_wait3A_490, %dma_wait3A_491] : memref<10112x128xf32, #tpu.memory_space<vmem_shared>> -> memref<10112x128xf32, #tpu.memory_space<vmem_shared>>
        tpu.wait_indirect_dma semaphore(%run_scoped3A : memref<!tpu.dma_semaphore, #tpu.memory_space<semaphore_mem>>) src(%arg10 : memref<125x128xf32, #tpu.memory_space<vmem>>) dst(%dma_wait3A_492 : memref<10112x128xf32, #tpu.memory_space<vmem_shared>>)
        tpu.yield
      }) : () -> ()
      %add3A_270 = arith.constant 2 : i32
      %add3A_271 = arith.addi %add3A_108, %add3A_270 : i32
      %lt3A_272 = arith.constant 10 : i32
      %lt3A_273 = arith.cmpi slt, %add3A_271, %lt3A_272 : i32
      %convert_element_type3A_274 = arith.extui %lt3A_273 : i1 to i32
      %cond3A_275 = arith.constant 0 : i32
      %cond3A_276 = arith.cmpi ne, %convert_element_type3A_274, %cond3A_275 : i32
      scf.if %cond3A_276 {
        %add3A_481 = arith.constant 2 : i32
        %add3A_482 = arith.addi %add3A_108, %add3A_481 : i32
        %mul3A_483 = arith.constant 8 : i32
        %mul3A_484 = arith.muli %add3A_482, %mul3A_483 : i32
        %add3A_485 = arith.addi %mul3A_21, %mul3A_484 : i32
        %dma_start3A_486 = arith.constant 0 : i32
        %dma_start3A_487 = arith.constant 0 : i32
        %dma_start3A_488 = arith.constant 0 : i32
        %dma_start3A_489 = tpu.memref_slice %arg7[%dma_start3A_486, %dma_start3A_487, %dma_start3A_488] : memref<2x8x125xi32, #tpu.memory_space<vmem>> -> memref<1x8x125xi32, #tpu.memory_space<vmem>>
        %dma_start3A_490 = tpu.memref_squeeze %dma_start3A_489 : memref<1x8x125xi32, #tpu.memory_space<vmem>> -> memref<8x125xi32, #tpu.memory_space<vmem>>
        %dma_start3A_491 = arith.constant 0 : i32
        %dma_start3A_492 = tpu.memref_slice %arg3[%add3A_485, %dma_start3A_491] : memref<2560x125xi32, #tpu.memory_space<hbm>> -> memref<8x125xi32, #tpu.memory_space<hbm>>
        %dma_start3A_493 = arith.constant 0 : i32
        %dma_start3A_494 = arith.constant 0 : i32
        %dma_start3A_495 = tpu.memref_slice %arg7[%dma_start3A_486, %dma_start3A_493, %dma_start3A_494] : memref<2x8x125xi32, #tpu.memory_space<vmem>> -> memref<1x8x125xi32, #tpu.memory_space<vmem>>
        %dma_start3A_496 = tpu.memref_squeeze %dma_start3A_495 : memref<1x8x125xi32, #tpu.memory_space<vmem>> -> memref<8x125xi32, #tpu.memory_space<vmem>>
        %dma_start3A_497 = arith.constant 0 : i32
        %dma_start3A_498 = tpu.memref_slice %arg3[%add3A_485, %dma_start3A_497] : memref<2560x125xi32, #tpu.memory_space<hbm>> -> memref<8x125xi32, #tpu.memory_space<hbm>>
        tpu.enqueue_dma source(%dma_start3A_498 : memref<8x125xi32, #tpu.memory_space<hbm>>) target(%dma_start3A_496 : memref<8x125xi32, #tpu.memory_space<vmem>>) target_semaphore(%arg13 : memref<!tpu.dma_semaphore, #tpu.memory_space<semaphore_mem>>)
      } else {
      }
      %add3A_277 = arith.constant 1 : i32
      %add3A_278 = arith.addi %add3A_108, %add3A_277 : i32
      %lt3A_279 = arith.constant 10 : i32
      %lt3A_280 = arith.cmpi slt, %add3A_278, %lt3A_279 : i32
      %convert_element_type3A_281 = arith.extui %lt3A_280 : i1 to i32
      %cond3A_282 = arith.constant 0 : i32
      %cond3A_283 = arith.cmpi ne, %convert_element_type3A_281, %cond3A_282 : i32
      scf.if %cond3A_283 {
        %dma_start3A_481 = arith.constant 1 : i32
        %dma_start3A_482 = arith.constant 1 : i32
        %dma_start3A_483 = arith.constant 0 : i32
        %dma_start3A_484 = tpu.memref_slice %arg7[%dma_start3A_481, %dma_start3A_482, %dma_start3A_483] : memref<2x8x125xi32, #tpu.memory_space<vmem>> -> memref<1x1x125xi32, #tpu.memory_space<vmem>>
        %dma_start3A_485 = tpu.memref_squeeze %dma_start3A_484 : memref<1x1x125xi32, #tpu.memory_space<vmem>> -> memref<125xi32, #tpu.memory_space<vmem>>
        %dma_start3A_486 = arith.constant 0 : i32
        %dma_start3A_487 = arith.constant 0 : i32
        %dma_start3A_488 = tpu.memref_slice %arg2[%dma_start3A_486, %dma_start3A_487] : memref<10000x128xf32, #tpu.memory_space<hbm>> -> memref<10000x128xf32, #tpu.memory_space<hbm>>
        tpu.enqueue_indirect_dma source(%dma_start3A_488 : memref<10000x128xf32, #tpu.memory_space<hbm>>) target(%arg10 : memref<125x128xf32, #tpu.memory_space<vmem>>) offsets(%dma_start3A_485 : memref<125xi32, #tpu.memory_space<vmem>>) semaphore(%arg12 : memref<!tpu.dma_semaphore, #tpu.memory_space<semaphore_mem>>)
      } else {
      }
      %add3A_284 = arith.constant 1 : i32
      %add3A_285 = arith.addi %add3A_108, %add3A_284 : i32
      %ge3A_286 = arith.constant 10 : i32
      %ge3A_287 = arith.cmpi sge, %add3A_285, %ge3A_286 : i32
      %convert_element_type3A_288 = arith.extui %ge3A_287 : i1 to i32
      %cond3A_289 = arith.constant 0 : i32
      %cond3A_290 = arith.cmpi ne, %convert_element_type3A_288, %cond3A_289 : i32
      scf.if %cond3A_290 {
        %dma_start3A_481 = arith.constant 0 : i32
        %dma_start3A_482 = arith.constant 7 : i32
        %dma_start3A_483 = arith.constant 0 : i32
        %dma_start3A_484 = tpu.memref_slice %arg7[%dma_start3A_481, %dma_start3A_482, %dma_start3A_483] : memref<2x8x125xi32, #tpu.memory_space<vmem>> -> memref<1x1x125xi32, #tpu.memory_space<vmem>>
        %dma_start3A_485 = tpu.memref_squeeze %dma_start3A_484 : memref<1x1x125xi32, #tpu.memory_space<vmem>> -> memref<125xi32, #tpu.memory_space<vmem>>
        %dma_start3A_486 = arith.constant 0 : i32
        %dma_start3A_487 = arith.constant 0 : i32
        %dma_start3A_488 = tpu.memref_slice %arg2[%dma_start3A_486, %dma_start3A_487] : memref<10000x128xf32, #tpu.memory_space<hbm>> -> memref<10000x128xf32, #tpu.memory_space<hbm>>
        tpu.enqueue_indirect_dma source(%dma_start3A_488 : memref<10000x128xf32, #tpu.memory_space<hbm>>) target(%arg10 : memref<125x128xf32, #tpu.memory_space<vmem>>) offsets(%dma_start3A_485 : memref<125xi32, #tpu.memory_space<vmem>>) semaphore(%arg12 : memref<!tpu.dma_semaphore, #tpu.memory_space<semaphore_mem>>)
      } else {
      }
      %mul3A_291 = arith.constant 2 : i32
      %mul3A_292 = arith.muli %mul3A_291, %scan3A_104 : i32
      %add3A_293 = arith.constant 1 : i32
      %add3A_294 = arith.addi %mul3A_292, %add3A_293 : i32
      %mul3A_295 = arith.constant 8 : i32
      %mul3A_296 = arith.muli %add3A_294, %mul3A_295 : i32
      %add3A_297 = arith.constant 0 : i32
      %add3A_298 = arith.addi %mul3A_296, %add3A_297 : i32
      %dma_wait3A_299 = arith.constant 1 : i32
      %dma_wait3A_300 = arith.constant 0 : i32
      %dma_wait3A_301 = arith.constant 0 : i32
      %dma_wait3A_302 = tpu.memref_slice %arg7[%dma_wait3A_299, %dma_wait3A_300, %dma_wait3A_301] : memref<2x8x125xi32, #tpu.memory_space<vmem>> -> memref<1x1x125xi32, #tpu.memory_space<vmem>>
      %dma_wait3A_303 = tpu.memref_squeeze %dma_wait3A_302 : memref<1x1x125xi32, #tpu.memory_space<vmem>> -> memref<125xi32, #tpu.memory_space<vmem>>
      %dma_wait3A_304 = arith.constant 0 : i32
      %dma_wait3A_305 = arith.constant 0 : i32
      %dma_wait3A_306 = tpu.memref_slice %arg2[%dma_wait3A_304, %dma_wait3A_305] : memref<10000x128xf32, #tpu.memory_space<hbm>> -> memref<10000x128xf32, #tpu.memory_space<hbm>>
      tpu.wait_indirect_dma semaphore(%arg11 : memref<!tpu.dma_semaphore, #tpu.memory_space<semaphore_mem>>) src(%dma_wait3A_306 : memref<10000x128xf32, #tpu.memory_space<hbm>>) dst(%arg9 : memref<125x128xf32, #tpu.memory_space<vmem>>)
      "tpu.region"() ({
        %run_scoped3A = tpu.sem_alloc : memref<!tpu.dma_semaphore, #tpu.memory_space<semaphore_mem>>
        %dma_start3A_481 = arith.constant 0 : i32
        %dma_start3A_482 = tpu.memref_slice %arg8[%add3A_298, %dma_start3A_481] : memref<80x125xi32, #tpu.memory_space<vmem>> -> memref<1x125xi32, #tpu.memory_space<vmem>>
        %dma_start3A_483 = tpu.memref_squeeze %dma_start3A_482 : memref<1x125xi32, #tpu.memory_space<vmem>> -> memref<125xi32, #tpu.memory_space<vmem>>
        %dma_start3A_484 = arith.constant 0 : i32
        %dma_start3A_485 = arith.constant 0 : i32
        %dma_start3A_486 = tpu.memref_slice %arg6[%dma_start3A_484, %dma_start3A_485] : memref<10112x128xf32, #tpu.memory_space<vmem_shared>> -> memref<10112x128xf32, #tpu.memory_space<vmem_shared>>
        tpu.enqueue_indirect_dma source(%arg9 : memref<125x128xf32, #tpu.memory_space<vmem>>) target(%dma_start3A_486 : memref<10112x128xf32, #tpu.memory_space<vmem_shared>>) offsets(%dma_start3A_483 : memref<125xi32, #tpu.memory_space<vmem>>) semaphore(%run_scoped3A : memref<!tpu.dma_semaphore, #tpu.memory_space<semaphore_mem>>) {add = true}
        %dma_wait3A_487 = arith.constant 0 : i32
        %dma_wait3A_488 = tpu.memref_slice %arg8[%add3A_298, %dma_wait3A_487] : memref<80x125xi32, #tpu.memory_space<vmem>> -> memref<1x125xi32, #tpu.memory_space<vmem>>
        %dma_wait3A_489 = tpu.memref_squeeze %dma_wait3A_488 : memref<1x125xi32, #tpu.memory_space<vmem>> -> memref<125xi32, #tpu.memory_space<vmem>>
        %dma_wait3A_490 = arith.constant 0 : i32
        %dma_wait3A_491 = arith.constant 0 : i32
        %dma_wait3A_492 = tpu.memref_slice %arg6[%dma_wait3A_490, %dma_wait3A_491] : memref<10112x128xf32, #tpu.memory_space<vmem_shared>> -> memref<10112x128xf32, #tpu.memory_space<vmem_shared>>
        tpu.wait_indirect_dma semaphore(%run_scoped3A : memref<!tpu.dma_semaphore, #tpu.memory_space<semaphore_mem>>) src(%arg9 : memref<125x128xf32, #tpu.memory_space<vmem>>) dst(%dma_wait3A_492 : memref<10112x128xf32, #tpu.memory_space<vmem_shared>>)
        tpu.yield
      }) : () -> ()
      %dma_start3A_307 = arith.constant 1 : i32
      %dma_start3A_308 = arith.constant 2 : i32
      %dma_start3A_309 = arith.constant 0 : i32
      %dma_start3A_310 = tpu.memref_slice %arg7[%dma_start3A_307, %dma_start3A_308, %dma_start3A_309] : memref<2x8x125xi32, #tpu.memory_space<vmem>> -> memref<1x1x125xi32, #tpu.memory_space<vmem>>
      %dma_start3A_311 = tpu.memref_squeeze %dma_start3A_310 : memref<1x1x125xi32, #tpu.memory_space<vmem>> -> memref<125xi32, #tpu.memory_space<vmem>>
      %dma_start3A_312 = arith.constant 0 : i32
      %dma_start3A_313 = arith.constant 0 : i32
      %dma_start3A_314 = tpu.memref_slice %arg2[%dma_start3A_312, %dma_start3A_313] : memref<10000x128xf32, #tpu.memory_space<hbm>> -> memref<10000x128xf32, #tpu.memory_space<hbm>>
      tpu.enqueue_indirect_dma source(%dma_start3A_314 : memref<10000x128xf32, #tpu.memory_space<hbm>>) target(%arg9 : memref<125x128xf32, #tpu.memory_space<vmem>>) offsets(%dma_start3A_311 : memref<125xi32, #tpu.memory_space<vmem>>) semaphore(%arg11 : memref<!tpu.dma_semaphore, #tpu.memory_space<semaphore_mem>>)
      %mul3A_315 = arith.constant 8 : i32
      %mul3A_316 = arith.muli %add3A_294, %mul3A_315 : i32
      %add3A_317 = arith.constant 1 : i32
      %add3A_318 = arith.addi %mul3A_316, %add3A_317 : i32
      %dma_wait3A_319 = arith.constant 1 : i32
      %dma_wait3A_320 = arith.constant 1 : i32
      %dma_wait3A_321 = arith.constant 0 : i32
      %dma_wait3A_322 = tpu.memref_slice %arg7[%dma_wait3A_319, %dma_wait3A_320, %dma_wait3A_321] : memref<2x8x125xi32, #tpu.memory_space<vmem>> -> memref<1x1x125xi32, #tpu.memory_space<vmem>>
      %dma_wait3A_323 = tpu.memref_squeeze %dma_wait3A_322 : memref<1x1x125xi32, #tpu.memory_space<vmem>> -> memref<125xi32, #tpu.memory_space<vmem>>
      %dma_wait3A_324 = arith.constant 0 : i32
      %dma_wait3A_325 = arith.constant 0 : i32
      %dma_wait3A_326 = tpu.memref_slice %arg2[%dma_wait3A_324, %dma_wait3A_325] : memref<10000x128xf32, #tpu.memory_space<hbm>> -> memref<10000x128xf32, #tpu.memory_space<hbm>>
      tpu.wait_indirect_dma semaphore(%arg12 : memref<!tpu.dma_semaphore, #tpu.memory_space<semaphore_mem>>) src(%dma_wait3A_326 : memref<10000x128xf32, #tpu.memory_space<hbm>>) dst(%arg10 : memref<125x128xf32, #tpu.memory_space<vmem>>)
      "tpu.region"() ({
        %run_scoped3A = tpu.sem_alloc : memref<!tpu.dma_semaphore, #tpu.memory_space<semaphore_mem>>
        %dma_start3A_481 = arith.constant 0 : i32
        %dma_start3A_482 = tpu.memref_slice %arg8[%add3A_318, %dma_start3A_481] : memref<80x125xi32, #tpu.memory_space<vmem>> -> memref<1x125xi32, #tpu.memory_space<vmem>>
        %dma_start3A_483 = tpu.memref_squeeze %dma_start3A_482 : memref<1x125xi32, #tpu.memory_space<vmem>> -> memref<125xi32, #tpu.memory_space<vmem>>
        %dma_start3A_484 = arith.constant 0 : i32
        %dma_start3A_485 = arith.constant 0 : i32
        %dma_start3A_486 = tpu.memref_slice %arg6[%dma_start3A_484, %dma_start3A_485] : memref<10112x128xf32, #tpu.memory_space<vmem_shared>> -> memref<10112x128xf32, #tpu.memory_space<vmem_shared>>
        tpu.enqueue_indirect_dma source(%arg10 : memref<125x128xf32, #tpu.memory_space<vmem>>) target(%dma_start3A_486 : memref<10112x128xf32, #tpu.memory_space<vmem_shared>>) offsets(%dma_start3A_483 : memref<125xi32, #tpu.memory_space<vmem>>) semaphore(%run_scoped3A : memref<!tpu.dma_semaphore, #tpu.memory_space<semaphore_mem>>) {add = true}
        %dma_wait3A_487 = arith.constant 0 : i32
        %dma_wait3A_488 = tpu.memref_slice %arg8[%add3A_318, %dma_wait3A_487] : memref<80x125xi32, #tpu.memory_space<vmem>> -> memref<1x125xi32, #tpu.memory_space<vmem>>
        %dma_wait3A_489 = tpu.memref_squeeze %dma_wait3A_488 : memref<1x125xi32, #tpu.memory_space<vmem>> -> memref<125xi32, #tpu.memory_space<vmem>>
        %dma_wait3A_490 = arith.constant 0 : i32
        %dma_wait3A_491 = arith.constant 0 : i32
        %dma_wait3A_492 = tpu.memref_slice %arg6[%dma_wait3A_490, %dma_wait3A_491] : memref<10112x128xf32, #tpu.memory_space<vmem_shared>> -> memref<10112x128xf32, #tpu.memory_space<vmem_shared>>
        tpu.wait_indirect_dma semaphore(%run_scoped3A : memref<!tpu.dma_semaphore, #tpu.memory_space<semaphore_mem>>) src(%arg10 : memref<125x128xf32, #tpu.memory_space<vmem>>) dst(%dma_wait3A_492 : memref<10112x128xf32, #tpu.memory_space<vmem_shared>>)
        tpu.yield
      }) : () -> ()
      %dma_start3A_327 = arith.constant 1 : i32
      %dma_start3A_328 = arith.constant 3 : i32
      %dma_start3A_329 = arith.constant 0 : i32
      %dma_start3A_330 = tpu.memref_slice %arg7[%dma_start3A_327, %dma_start3A_328, %dma_start3A_329] : memref<2x8x125xi32, #tpu.memory_space<vmem>> -> memref<1x1x125xi32, #tpu.memory_space<vmem>>
      %dma_start3A_331 = tpu.memref_squeeze %dma_start3A_330 : memref<1x1x125xi32, #tpu.memory_space<vmem>> -> memref<125xi32, #tpu.memory_space<vmem>>
      %dma_start3A_332 = arith.constant 0 : i32
      %dma_start3A_333 = arith.constant 0 : i32
      %dma_start3A_334 = tpu.memref_slice %arg2[%dma_start3A_332, %dma_start3A_333] : memref<10000x128xf32, #tpu.memory_space<hbm>> -> memref<10000x128xf32, #tpu.memory_space<hbm>>
      tpu.enqueue_indirect_dma source(%dma_start3A_334 : memref<10000x128xf32, #tpu.memory_space<hbm>>) target(%arg10 : memref<125x128xf32, #tpu.memory_space<vmem>>) offsets(%dma_start3A_331 : memref<125xi32, #tpu.memory_space<vmem>>) semaphore(%arg12 : memref<!tpu.dma_semaphore, #tpu.memory_space<semaphore_mem>>)
      %mul3A_335 = arith.constant 8 : i32
      %mul3A_336 = arith.muli %add3A_294, %mul3A_335 : i32
      %add3A_337 = arith.constant 2 : i32
      %add3A_338 = arith.addi %mul3A_336, %add3A_337 : i32
      %dma_wait3A_339 = arith.constant 1 : i32
      %dma_wait3A_340 = arith.constant 2 : i32
      %dma_wait3A_341 = arith.constant 0 : i32
      %dma_wait3A_342 = tpu.memref_slice %arg7[%dma_wait3A_339, %dma_wait3A_340, %dma_wait3A_341] : memref<2x8x125xi32, #tpu.memory_space<vmem>> -> memref<1x1x125xi32, #tpu.memory_space<vmem>>
      %dma_wait3A_343 = tpu.memref_squeeze %dma_wait3A_342 : memref<1x1x125xi32, #tpu.memory_space<vmem>> -> memref<125xi32, #tpu.memory_space<vmem>>
      %dma_wait3A_344 = arith.constant 0 : i32
      %dma_wait3A_345 = arith.constant 0 : i32
      %dma_wait3A_346 = tpu.memref_slice %arg2[%dma_wait3A_344, %dma_wait3A_345] : memref<10000x128xf32, #tpu.memory_space<hbm>> -> memref<10000x128xf32, #tpu.memory_space<hbm>>
      tpu.wait_indirect_dma semaphore(%arg11 : memref<!tpu.dma_semaphore, #tpu.memory_space<semaphore_mem>>) src(%dma_wait3A_346 : memref<10000x128xf32, #tpu.memory_space<hbm>>) dst(%arg9 : memref<125x128xf32, #tpu.memory_space<vmem>>)
      "tpu.region"() ({
        %run_scoped3A = tpu.sem_alloc : memref<!tpu.dma_semaphore, #tpu.memory_space<semaphore_mem>>
        %dma_start3A_481 = arith.constant 0 : i32
        %dma_start3A_482 = tpu.memref_slice %arg8[%add3A_338, %dma_start3A_481] : memref<80x125xi32, #tpu.memory_space<vmem>> -> memref<1x125xi32, #tpu.memory_space<vmem>>
        %dma_start3A_483 = tpu.memref_squeeze %dma_start3A_482 : memref<1x125xi32, #tpu.memory_space<vmem>> -> memref<125xi32, #tpu.memory_space<vmem>>
        %dma_start3A_484 = arith.constant 0 : i32
        %dma_start3A_485 = arith.constant 0 : i32
        %dma_start3A_486 = tpu.memref_slice %arg6[%dma_start3A_484, %dma_start3A_485] : memref<10112x128xf32, #tpu.memory_space<vmem_shared>> -> memref<10112x128xf32, #tpu.memory_space<vmem_shared>>
        tpu.enqueue_indirect_dma source(%arg9 : memref<125x128xf32, #tpu.memory_space<vmem>>) target(%dma_start3A_486 : memref<10112x128xf32, #tpu.memory_space<vmem_shared>>) offsets(%dma_start3A_483 : memref<125xi32, #tpu.memory_space<vmem>>) semaphore(%run_scoped3A : memref<!tpu.dma_semaphore, #tpu.memory_space<semaphore_mem>>) {add = true}
        %dma_wait3A_487 = arith.constant 0 : i32
        %dma_wait3A_488 = tpu.memref_slice %arg8[%add3A_338, %dma_wait3A_487] : memref<80x125xi32, #tpu.memory_space<vmem>> -> memref<1x125xi32, #tpu.memory_space<vmem>>
        %dma_wait3A_489 = tpu.memref_squeeze %dma_wait3A_488 : memref<1x125xi32, #tpu.memory_space<vmem>> -> memref<125xi32, #tpu.memory_space<vmem>>
        %dma_wait3A_490 = arith.constant 0 : i32
        %dma_wait3A_491 = arith.constant 0 : i32
        %dma_wait3A_492 = tpu.memref_slice %arg6[%dma_wait3A_490, %dma_wait3A_491] : memref<10112x128xf32, #tpu.memory_space<vmem_shared>> -> memref<10112x128xf32, #tpu.memory_space<vmem_shared>>
        tpu.wait_indirect_dma semaphore(%run_scoped3A : memref<!tpu.dma_semaphore, #tpu.memory_space<semaphore_mem>>) src(%arg9 : memref<125x128xf32, #tpu.memory_space<vmem>>) dst(%dma_wait3A_492 : memref<10112x128xf32, #tpu.memory_space<vmem_shared>>)
        tpu.yield
      }) : () -> ()
      %dma_start3A_347 = arith.constant 1 : i32
      %dma_start3A_348 = arith.constant 4 : i32
      %dma_start3A_349 = arith.constant 0 : i32
      %dma_start3A_350 = tpu.memref_slice %arg7[%dma_start3A_347, %dma_start3A_348, %dma_start3A_349] : memref<2x8x125xi32, #tpu.memory_space<vmem>> -> memref<1x1x125xi32, #tpu.memory_space<vmem>>
      %dma_start3A_351 = tpu.memref_squeeze %dma_start3A_350 : memref<1x1x125xi32, #tpu.memory_space<vmem>> -> memref<125xi32, #tpu.memory_space<vmem>>
      %dma_start3A_352 = arith.constant 0 : i32
      %dma_start3A_353 = arith.constant 0 : i32
      %dma_start3A_354 = tpu.memref_slice %arg2[%dma_start3A_352, %dma_start3A_353] : memref<10000x128xf32, #tpu.memory_space<hbm>> -> memref<10000x128xf32, #tpu.memory_space<hbm>>
      tpu.enqueue_indirect_dma source(%dma_start3A_354 : memref<10000x128xf32, #tpu.memory_space<hbm>>) target(%arg9 : memref<125x128xf32, #tpu.memory_space<vmem>>) offsets(%dma_start3A_351 : memref<125xi32, #tpu.memory_space<vmem>>) semaphore(%arg11 : memref<!tpu.dma_semaphore, #tpu.memory_space<semaphore_mem>>)
      %mul3A_355 = arith.constant 8 : i32
      %mul3A_356 = arith.muli %add3A_294, %mul3A_355 : i32
      %add3A_357 = arith.constant 3 : i32
      %add3A_358 = arith.addi %mul3A_356, %add3A_357 : i32
      %dma_wait3A_359 = arith.constant 1 : i32
      %dma_wait3A_360 = arith.constant 3 : i32
      %dma_wait3A_361 = arith.constant 0 : i32
      %dma_wait3A_362 = tpu.memref_slice %arg7[%dma_wait3A_359, %dma_wait3A_360, %dma_wait3A_361] : memref<2x8x125xi32, #tpu.memory_space<vmem>> -> memref<1x1x125xi32, #tpu.memory_space<vmem>>
      %dma_wait3A_363 = tpu.memref_squeeze %dma_wait3A_362 : memref<1x1x125xi32, #tpu.memory_space<vmem>> -> memref<125xi32, #tpu.memory_space<vmem>>
      %dma_wait3A_364 = arith.constant 0 : i32
      %dma_wait3A_365 = arith.constant 0 : i32
      %dma_wait3A_366 = tpu.memref_slice %arg2[%dma_wait3A_364, %dma_wait3A_365] : memref<10000x128xf32, #tpu.memory_space<hbm>> -> memref<10000x128xf32, #tpu.memory_space<hbm>>
      tpu.wait_indirect_dma semaphore(%arg12 : memref<!tpu.dma_semaphore, #tpu.memory_space<semaphore_mem>>) src(%dma_wait3A_366 : memref<10000x128xf32, #tpu.memory_space<hbm>>) dst(%arg10 : memref<125x128xf32, #tpu.memory_space<vmem>>)
      "tpu.region"() ({
        %run_scoped3A = tpu.sem_alloc : memref<!tpu.dma_semaphore, #tpu.memory_space<semaphore_mem>>
        %dma_start3A_481 = arith.constant 0 : i32
        %dma_start3A_482 = tpu.memref_slice %arg8[%add3A_358, %dma_start3A_481] : memref<80x125xi32, #tpu.memory_space<vmem>> -> memref<1x125xi32, #tpu.memory_space<vmem>>
        %dma_start3A_483 = tpu.memref_squeeze %dma_start3A_482 : memref<1x125xi32, #tpu.memory_space<vmem>> -> memref<125xi32, #tpu.memory_space<vmem>>
        %dma_start3A_484 = arith.constant 0 : i32
        %dma_start3A_485 = arith.constant 0 : i32
        %dma_start3A_486 = tpu.memref_slice %arg6[%dma_start3A_484, %dma_start3A_485] : memref<10112x128xf32, #tpu.memory_space<vmem_shared>> -> memref<10112x128xf32, #tpu.memory_space<vmem_shared>>
        tpu.enqueue_indirect_dma source(%arg10 : memref<125x128xf32, #tpu.memory_space<vmem>>) target(%dma_start3A_486 : memref<10112x128xf32, #tpu.memory_space<vmem_shared>>) offsets(%dma_start3A_483 : memref<125xi32, #tpu.memory_space<vmem>>) semaphore(%run_scoped3A : memref<!tpu.dma_semaphore, #tpu.memory_space<semaphore_mem>>) {add = true}
        %dma_wait3A_487 = arith.constant 0 : i32
        %dma_wait3A_488 = tpu.memref_slice %arg8[%add3A_358, %dma_wait3A_487] : memref<80x125xi32, #tpu.memory_space<vmem>> -> memref<1x125xi32, #tpu.memory_space<vmem>>
        %dma_wait3A_489 = tpu.memref_squeeze %dma_wait3A_488 : memref<1x125xi32, #tpu.memory_space<vmem>> -> memref<125xi32, #tpu.memory_space<vmem>>
        %dma_wait3A_490 = arith.constant 0 : i32
        %dma_wait3A_491 = arith.constant 0 : i32
        %dma_wait3A_492 = tpu.memref_slice %arg6[%dma_wait3A_490, %dma_wait3A_491] : memref<10112x128xf32, #tpu.memory_space<vmem_shared>> -> memref<10112x128xf32, #tpu.memory_space<vmem_shared>>
        tpu.wait_indirect_dma semaphore(%run_scoped3A : memref<!tpu.dma_semaphore, #tpu.memory_space<semaphore_mem>>) src(%arg10 : memref<125x128xf32, #tpu.memory_space<vmem>>) dst(%dma_wait3A_492 : memref<10112x128xf32, #tpu.memory_space<vmem_shared>>)
        tpu.yield
      }) : () -> ()
      %dma_start3A_367 = arith.constant 1 : i32
      %dma_start3A_368 = arith.constant 5 : i32
      %dma_start3A_369 = arith.constant 0 : i32
      %dma_start3A_370 = tpu.memref_slice %arg7[%dma_start3A_367, %dma_start3A_368, %dma_start3A_369] : memref<2x8x125xi32, #tpu.memory_space<vmem>> -> memref<1x1x125xi32, #tpu.memory_space<vmem>>
      %dma_start3A_371 = tpu.memref_squeeze %dma_start3A_370 : memref<1x1x125xi32, #tpu.memory_space<vmem>> -> memref<125xi32, #tpu.memory_space<vmem>>
      %dma_start3A_372 = arith.constant 0 : i32
      %dma_start3A_373 = arith.constant 0 : i32
      %dma_start3A_374 = tpu.memref_slice %arg2[%dma_start3A_372, %dma_start3A_373] : memref<10000x128xf32, #tpu.memory_space<hbm>> -> memref<10000x128xf32, #tpu.memory_space<hbm>>
      tpu.enqueue_indirect_dma source(%dma_start3A_374 : memref<10000x128xf32, #tpu.memory_space<hbm>>) target(%arg10 : memref<125x128xf32, #tpu.memory_space<vmem>>) offsets(%dma_start3A_371 : memref<125xi32, #tpu.memory_space<vmem>>) semaphore(%arg12 : memref<!tpu.dma_semaphore, #tpu.memory_space<semaphore_mem>>)
      %mul3A_375 = arith.constant 8 : i32
      %mul3A_376 = arith.muli %add3A_294, %mul3A_375 : i32
      %add3A_377 = arith.constant 4 : i32
      %add3A_378 = arith.addi %mul3A_376, %add3A_377 : i32
      %dma_wait3A_379 = arith.constant 1 : i32
      %dma_wait3A_380 = arith.constant 4 : i32
      %dma_wait3A_381 = arith.constant 0 : i32
      %dma_wait3A_382 = tpu.memref_slice %arg7[%dma_wait3A_379, %dma_wait3A_380, %dma_wait3A_381] : memref<2x8x125xi32, #tpu.memory_space<vmem>> -> memref<1x1x125xi32, #tpu.memory_space<vmem>>
      %dma_wait3A_383 = tpu.memref_squeeze %dma_wait3A_382 : memref<1x1x125xi32, #tpu.memory_space<vmem>> -> memref<125xi32, #tpu.memory_space<vmem>>
      %dma_wait3A_384 = arith.constant 0 : i32
      %dma_wait3A_385 = arith.constant 0 : i32
      %dma_wait3A_386 = tpu.memref_slice %arg2[%dma_wait3A_384, %dma_wait3A_385] : memref<10000x128xf32, #tpu.memory_space<hbm>> -> memref<10000x128xf32, #tpu.memory_space<hbm>>
      tpu.wait_indirect_dma semaphore(%arg11 : memref<!tpu.dma_semaphore, #tpu.memory_space<semaphore_mem>>) src(%dma_wait3A_386 : memref<10000x128xf32, #tpu.memory_space<hbm>>) dst(%arg9 : memref<125x128xf32, #tpu.memory_space<vmem>>)
      "tpu.region"() ({
        %run_scoped3A = tpu.sem_alloc : memref<!tpu.dma_semaphore, #tpu.memory_space<semaphore_mem>>
        %dma_start3A_481 = arith.constant 0 : i32
        %dma_start3A_482 = tpu.memref_slice %arg8[%add3A_378, %dma_start3A_481] : memref<80x125xi32, #tpu.memory_space<vmem>> -> memref<1x125xi32, #tpu.memory_space<vmem>>
        %dma_start3A_483 = tpu.memref_squeeze %dma_start3A_482 : memref<1x125xi32, #tpu.memory_space<vmem>> -> memref<125xi32, #tpu.memory_space<vmem>>
        %dma_start3A_484 = arith.constant 0 : i32
        %dma_start3A_485 = arith.constant 0 : i32
        %dma_start3A_486 = tpu.memref_slice %arg6[%dma_start3A_484, %dma_start3A_485] : memref<10112x128xf32, #tpu.memory_space<vmem_shared>> -> memref<10112x128xf32, #tpu.memory_space<vmem_shared>>
        tpu.enqueue_indirect_dma source(%arg9 : memref<125x128xf32, #tpu.memory_space<vmem>>) target(%dma_start3A_486 : memref<10112x128xf32, #tpu.memory_space<vmem_shared>>) offsets(%dma_start3A_483 : memref<125xi32, #tpu.memory_space<vmem>>) semaphore(%run_scoped3A : memref<!tpu.dma_semaphore, #tpu.memory_space<semaphore_mem>>) {add = true}
        %dma_wait3A_487 = arith.constant 0 : i32
        %dma_wait3A_488 = tpu.memref_slice %arg8[%add3A_378, %dma_wait3A_487] : memref<80x125xi32, #tpu.memory_space<vmem>> -> memref<1x125xi32, #tpu.memory_space<vmem>>
        %dma_wait3A_489 = tpu.memref_squeeze %dma_wait3A_488 : memref<1x125xi32, #tpu.memory_space<vmem>> -> memref<125xi32, #tpu.memory_space<vmem>>
        %dma_wait3A_490 = arith.constant 0 : i32
        %dma_wait3A_491 = arith.constant 0 : i32
        %dma_wait3A_492 = tpu.memref_slice %arg6[%dma_wait3A_490, %dma_wait3A_491] : memref<10112x128xf32, #tpu.memory_space<vmem_shared>> -> memref<10112x128xf32, #tpu.memory_space<vmem_shared>>
        tpu.wait_indirect_dma semaphore(%run_scoped3A : memref<!tpu.dma_semaphore, #tpu.memory_space<semaphore_mem>>) src(%arg9 : memref<125x128xf32, #tpu.memory_space<vmem>>) dst(%dma_wait3A_492 : memref<10112x128xf32, #tpu.memory_space<vmem_shared>>)
        tpu.yield
      }) : () -> ()
      %dma_start3A_387 = arith.constant 1 : i32
      %dma_start3A_388 = arith.constant 6 : i32
      %dma_start3A_389 = arith.constant 0 : i32
      %dma_start3A_390 = tpu.memref_slice %arg7[%dma_start3A_387, %dma_start3A_388, %dma_start3A_389] : memref<2x8x125xi32, #tpu.memory_space<vmem>> -> memref<1x1x125xi32, #tpu.memory_space<vmem>>
      %dma_start3A_391 = tpu.memref_squeeze %dma_start3A_390 : memref<1x1x125xi32, #tpu.memory_space<vmem>> -> memref<125xi32, #tpu.memory_space<vmem>>
      %dma_start3A_392 = arith.constant 0 : i32
      %dma_start3A_393 = arith.constant 0 : i32
      %dma_start3A_394 = tpu.memref_slice %arg2[%dma_start3A_392, %dma_start3A_393] : memref<10000x128xf32, #tpu.memory_space<hbm>> -> memref<10000x128xf32, #tpu.memory_space<hbm>>
      tpu.enqueue_indirect_dma source(%dma_start3A_394 : memref<10000x128xf32, #tpu.memory_space<hbm>>) target(%arg9 : memref<125x128xf32, #tpu.memory_space<vmem>>) offsets(%dma_start3A_391 : memref<125xi32, #tpu.memory_space<vmem>>) semaphore(%arg11 : memref<!tpu.dma_semaphore, #tpu.memory_space<semaphore_mem>>)
      %mul3A_395 = arith.constant 8 : i32
      %mul3A_396 = arith.muli %add3A_294, %mul3A_395 : i32
      %add3A_397 = arith.constant 5 : i32
      %add3A_398 = arith.addi %mul3A_396, %add3A_397 : i32
      %dma_wait3A_399 = arith.constant 1 : i32
      %dma_wait3A_400 = arith.constant 5 : i32
      %dma_wait3A_401 = arith.constant 0 : i32
      %dma_wait3A_402 = tpu.memref_slice %arg7[%dma_wait3A_399, %dma_wait3A_400, %dma_wait3A_401] : memref<2x8x125xi32, #tpu.memory_space<vmem>> -> memref<1x1x125xi32, #tpu.memory_space<vmem>>
      %dma_wait3A_403 = tpu.memref_squeeze %dma_wait3A_402 : memref<1x1x125xi32, #tpu.memory_space<vmem>> -> memref<125xi32, #tpu.memory_space<vmem>>
      %dma_wait3A_404 = arith.constant 0 : i32
      %dma_wait3A_405 = arith.constant 0 : i32
      %dma_wait3A_406 = tpu.memref_slice %arg2[%dma_wait3A_404, %dma_wait3A_405] : memref<10000x128xf32, #tpu.memory_space<hbm>> -> memref<10000x128xf32, #tpu.memory_space<hbm>>
      tpu.wait_indirect_dma semaphore(%arg12 : memref<!tpu.dma_semaphore, #tpu.memory_space<semaphore_mem>>) src(%dma_wait3A_406 : memref<10000x128xf32, #tpu.memory_space<hbm>>) dst(%arg10 : memref<125x128xf32, #tpu.memory_space<vmem>>)
      "tpu.region"() ({
        %run_scoped3A = tpu.sem_alloc : memref<!tpu.dma_semaphore, #tpu.memory_space<semaphore_mem>>
        %dma_start3A_481 = arith.constant 0 : i32
        %dma_start3A_482 = tpu.memref_slice %arg8[%add3A_398, %dma_start3A_481] : memref<80x125xi32, #tpu.memory_space<vmem>> -> memref<1x125xi32, #tpu.memory_space<vmem>>
        %dma_start3A_483 = tpu.memref_squeeze %dma_start3A_482 : memref<1x125xi32, #tpu.memory_space<vmem>> -> memref<125xi32, #tpu.memory_space<vmem>>
        %dma_start3A_484 = arith.constant 0 : i32
        %dma_start3A_485 = arith.constant 0 : i32
        %dma_start3A_486 = tpu.memref_slice %arg6[%dma_start3A_484, %dma_start3A_485] : memref<10112x128xf32, #tpu.memory_space<vmem_shared>> -> memref<10112x128xf32, #tpu.memory_space<vmem_shared>>
        tpu.enqueue_indirect_dma source(%arg10 : memref<125x128xf32, #tpu.memory_space<vmem>>) target(%dma_start3A_486 : memref<10112x128xf32, #tpu.memory_space<vmem_shared>>) offsets(%dma_start3A_483 : memref<125xi32, #tpu.memory_space<vmem>>) semaphore(%run_scoped3A : memref<!tpu.dma_semaphore, #tpu.memory_space<semaphore_mem>>) {add = true}
        %dma_wait3A_487 = arith.constant 0 : i32
        %dma_wait3A_488 = tpu.memref_slice %arg8[%add3A_398, %dma_wait3A_487] : memref<80x125xi32, #tpu.memory_space<vmem>> -> memref<1x125xi32, #tpu.memory_space<vmem>>
        %dma_wait3A_489 = tpu.memref_squeeze %dma_wait3A_488 : memref<1x125xi32, #tpu.memory_space<vmem>> -> memref<125xi32, #tpu.memory_space<vmem>>
        %dma_wait3A_490 = arith.constant 0 : i32
        %dma_wait3A_491 = arith.constant 0 : i32
        %dma_wait3A_492 = tpu.memref_slice %arg6[%dma_wait3A_490, %dma_wait3A_491] : memref<10112x128xf32, #tpu.memory_space<vmem_shared>> -> memref<10112x128xf32, #tpu.memory_space<vmem_shared>>
        tpu.wait_indirect_dma semaphore(%run_scoped3A : memref<!tpu.dma_semaphore, #tpu.memory_space<semaphore_mem>>) src(%arg10 : memref<125x128xf32, #tpu.memory_space<vmem>>) dst(%dma_wait3A_492 : memref<10112x128xf32, #tpu.memory_space<vmem_shared>>)
        tpu.yield
      }) : () -> ()
      %dma_start3A_407 = arith.constant 1 : i32
      %dma_start3A_408 = arith.constant 7 : i32
      %dma_start3A_409 = arith.constant 0 : i32
      %dma_start3A_410 = tpu.memref_slice %arg7[%dma_start3A_407, %dma_start3A_408, %dma_start3A_409] : memref<2x8x125xi32, #tpu.memory_space<vmem>> -> memref<1x1x125xi32, #tpu.memory_space<vmem>>
      %dma_start3A_411 = tpu.memref_squeeze %dma_start3A_410 : memref<1x1x125xi32, #tpu.memory_space<vmem>> -> memref<125xi32, #tpu.memory_space<vmem>>
      %dma_start3A_412 = arith.constant 0 : i32
      %dma_start3A_413 = arith.constant 0 : i32
      %dma_start3A_414 = tpu.memref_slice %arg2[%dma_start3A_412, %dma_start3A_413] : memref<10000x128xf32, #tpu.memory_space<hbm>> -> memref<10000x128xf32, #tpu.memory_space<hbm>>
      tpu.enqueue_indirect_dma source(%dma_start3A_414 : memref<10000x128xf32, #tpu.memory_space<hbm>>) target(%arg10 : memref<125x128xf32, #tpu.memory_space<vmem>>) offsets(%dma_start3A_411 : memref<125xi32, #tpu.memory_space<vmem>>) semaphore(%arg12 : memref<!tpu.dma_semaphore, #tpu.memory_space<semaphore_mem>>)
      %mul3A_415 = arith.constant 8 : i32
      %mul3A_416 = arith.muli %add3A_294, %mul3A_415 : i32
      %add3A_417 = arith.constant 6 : i32
      %add3A_418 = arith.addi %mul3A_416, %add3A_417 : i32
      %dma_wait3A_419 = arith.constant 1 : i32
      %dma_wait3A_420 = arith.constant 6 : i32
      %dma_wait3A_421 = arith.constant 0 : i32
      %dma_wait3A_422 = tpu.memref_slice %arg7[%dma_wait3A_419, %dma_wait3A_420, %dma_wait3A_421] : memref<2x8x125xi32, #tpu.memory_space<vmem>> -> memref<1x1x125xi32, #tpu.memory_space<vmem>>
      %dma_wait3A_423 = tpu.memref_squeeze %dma_wait3A_422 : memref<1x1x125xi32, #tpu.memory_space<vmem>> -> memref<125xi32, #tpu.memory_space<vmem>>
      %dma_wait3A_424 = arith.constant 0 : i32
      %dma_wait3A_425 = arith.constant 0 : i32
      %dma_wait3A_426 = tpu.memref_slice %arg2[%dma_wait3A_424, %dma_wait3A_425] : memref<10000x128xf32, #tpu.memory_space<hbm>> -> memref<10000x128xf32, #tpu.memory_space<hbm>>
      tpu.wait_indirect_dma semaphore(%arg11 : memref<!tpu.dma_semaphore, #tpu.memory_space<semaphore_mem>>) src(%dma_wait3A_426 : memref<10000x128xf32, #tpu.memory_space<hbm>>) dst(%arg9 : memref<125x128xf32, #tpu.memory_space<vmem>>)
      "tpu.region"() ({
        %run_scoped3A = tpu.sem_alloc : memref<!tpu.dma_semaphore, #tpu.memory_space<semaphore_mem>>
        %dma_start3A_481 = arith.constant 0 : i32
        %dma_start3A_482 = tpu.memref_slice %arg8[%add3A_418, %dma_start3A_481] : memref<80x125xi32, #tpu.memory_space<vmem>> -> memref<1x125xi32, #tpu.memory_space<vmem>>
        %dma_start3A_483 = tpu.memref_squeeze %dma_start3A_482 : memref<1x125xi32, #tpu.memory_space<vmem>> -> memref<125xi32, #tpu.memory_space<vmem>>
        %dma_start3A_484 = arith.constant 0 : i32
        %dma_start3A_485 = arith.constant 0 : i32
        %dma_start3A_486 = tpu.memref_slice %arg6[%dma_start3A_484, %dma_start3A_485] : memref<10112x128xf32, #tpu.memory_space<vmem_shared>> -> memref<10112x128xf32, #tpu.memory_space<vmem_shared>>
        tpu.enqueue_indirect_dma source(%arg9 : memref<125x128xf32, #tpu.memory_space<vmem>>) target(%dma_start3A_486 : memref<10112x128xf32, #tpu.memory_space<vmem_shared>>) offsets(%dma_start3A_483 : memref<125xi32, #tpu.memory_space<vmem>>) semaphore(%run_scoped3A : memref<!tpu.dma_semaphore, #tpu.memory_space<semaphore_mem>>) {add = true}
        %dma_wait3A_487 = arith.constant 0 : i32
        %dma_wait3A_488 = tpu.memref_slice %arg8[%add3A_418, %dma_wait3A_487] : memref<80x125xi32, #tpu.memory_space<vmem>> -> memref<1x125xi32, #tpu.memory_space<vmem>>
        %dma_wait3A_489 = tpu.memref_squeeze %dma_wait3A_488 : memref<1x125xi32, #tpu.memory_space<vmem>> -> memref<125xi32, #tpu.memory_space<vmem>>
        %dma_wait3A_490 = arith.constant 0 : i32
        %dma_wait3A_491 = arith.constant 0 : i32
        %dma_wait3A_492 = tpu.memref_slice %arg6[%dma_wait3A_490, %dma_wait3A_491] : memref<10112x128xf32, #tpu.memory_space<vmem_shared>> -> memref<10112x128xf32, #tpu.memory_space<vmem_shared>>
        tpu.wait_indirect_dma semaphore(%run_scoped3A : memref<!tpu.dma_semaphore, #tpu.memory_space<semaphore_mem>>) src(%arg9 : memref<125x128xf32, #tpu.memory_space<vmem>>) dst(%dma_wait3A_492 : memref<10112x128xf32, #tpu.memory_space<vmem_shared>>)
        tpu.yield
      }) : () -> ()
      %add3A_427 = arith.constant 1 : i32
      %add3A_428 = arith.addi %add3A_294, %add3A_427 : i32
      %lt3A_429 = arith.constant 10 : i32
      %lt3A_430 = arith.cmpi slt, %add3A_428, %lt3A_429 : i32
      %convert_element_type3A_431 = arith.extui %lt3A_430 : i1 to i32
      %cond3A_432 = arith.constant 0 : i32
      %cond3A_433 = arith.cmpi ne, %convert_element_type3A_431, %cond3A_432 : i32
      scf.if %cond3A_433 {
        %dma_wait3A_481 = arith.constant 0 : i32
        %dma_wait3A_482 = arith.constant 0 : i32
        %dma_wait3A_483 = arith.constant 0 : i32
        %dma_wait3A_484 = tpu.memref_slice %arg7[%dma_wait3A_481, %dma_wait3A_482, %dma_wait3A_483] : memref<2x8x125xi32, #tpu.memory_space<vmem>> -> memref<1x8x125xi32, #tpu.memory_space<vmem>>
        %dma_wait3A_485 = tpu.memref_squeeze %dma_wait3A_484 : memref<1x8x125xi32, #tpu.memory_space<vmem>> -> memref<8x125xi32, #tpu.memory_space<vmem>>
        %dma_wait3A_486 = arith.constant 0 : i32
        %dma_wait3A_487 = arith.constant 0 : i32
        %dma_wait3A_488 = tpu.memref_slice %arg3[%dma_wait3A_486, %dma_wait3A_487] : memref<2560x125xi32, #tpu.memory_space<hbm>> -> memref<8x125xi32, #tpu.memory_space<hbm>>
        %dma_wait3A_489 = arith.constant 0 : i32
        %dma_wait3A_490 = arith.constant 0 : i32
        %dma_wait3A_491 = tpu.memref_slice %arg7[%dma_wait3A_481, %dma_wait3A_489, %dma_wait3A_490] : memref<2x8x125xi32, #tpu.memory_space<vmem>> -> memref<1x8x125xi32, #tpu.memory_space<vmem>>
        %dma_wait3A_492 = tpu.memref_squeeze %dma_wait3A_491 : memref<1x8x125xi32, #tpu.memory_space<vmem>> -> memref<8x125xi32, #tpu.memory_space<vmem>>
        %dma_wait3A_493 = arith.constant 0 : i32
        %dma_wait3A_494 = arith.constant 0 : i32
        %dma_wait3A_495 = tpu.memref_slice %arg3[%dma_wait3A_493, %dma_wait3A_494] : memref<2560x125xi32, #tpu.memory_space<hbm>> -> memref<8x125xi32, #tpu.memory_space<hbm>>
        tpu.wait_dma2 semaphore(%arg13 : memref<!tpu.dma_semaphore, #tpu.memory_space<semaphore_mem>>) src(%dma_wait3A_495 : memref<8x125xi32, #tpu.memory_space<hbm>>) dst(%dma_wait3A_492 : memref<8x125xi32, #tpu.memory_space<vmem>>)
      } else {
      }
      %add3A_434 = arith.constant 1 : i32
      %add3A_435 = arith.addi %add3A_294, %add3A_434 : i32
      %lt3A_436 = arith.constant 10 : i32
      %lt3A_437 = arith.cmpi slt, %add3A_435, %lt3A_436 : i32
      %convert_element_type3A_438 = arith.extui %lt3A_437 : i1 to i32
      %cond3A_439 = arith.constant 0 : i32
      %cond3A_440 = arith.cmpi ne, %convert_element_type3A_438, %cond3A_439 : i32
      scf.if %cond3A_440 {
        %dma_start3A_481 = arith.constant 0 : i32
        %dma_start3A_482 = arith.constant 0 : i32
        %dma_start3A_483 = arith.constant 0 : i32
        %dma_start3A_484 = tpu.memref_slice %arg7[%dma_start3A_481, %dma_start3A_482, %dma_start3A_483] : memref<2x8x125xi32, #tpu.memory_space<vmem>> -> memref<1x1x125xi32, #tpu.memory_space<vmem>>
        %dma_start3A_485 = tpu.memref_squeeze %dma_start3A_484 : memref<1x1x125xi32, #tpu.memory_space<vmem>> -> memref<125xi32, #tpu.memory_space<vmem>>
        %dma_start3A_486 = arith.constant 0 : i32
        %dma_start3A_487 = arith.constant 0 : i32
        %dma_start3A_488 = tpu.memref_slice %arg2[%dma_start3A_486, %dma_start3A_487] : memref<10000x128xf32, #tpu.memory_space<hbm>> -> memref<10000x128xf32, #tpu.memory_space<hbm>>
        tpu.enqueue_indirect_dma source(%dma_start3A_488 : memref<10000x128xf32, #tpu.memory_space<hbm>>) target(%arg9 : memref<125x128xf32, #tpu.memory_space<vmem>>) offsets(%dma_start3A_485 : memref<125xi32, #tpu.memory_space<vmem>>) semaphore(%arg11 : memref<!tpu.dma_semaphore, #tpu.memory_space<semaphore_mem>>)
      } else {
      }
      %add3A_441 = arith.constant 1 : i32
      %add3A_442 = arith.addi %add3A_294, %add3A_441 : i32
      %ge3A_443 = arith.constant 10 : i32
      %ge3A_444 = arith.cmpi sge, %add3A_442, %ge3A_443 : i32
      %convert_element_type3A_445 = arith.extui %ge3A_444 : i1 to i32
      %cond3A_446 = arith.constant 0 : i32
      %cond3A_447 = arith.cmpi ne, %convert_element_type3A_445, %cond3A_446 : i32
      scf.if %cond3A_447 {
        %dma_start3A_481 = arith.constant 1 : i32
        %dma_start3A_482 = arith.constant 6 : i32
        %dma_start3A_483 = arith.constant 0 : i32
        %dma_start3A_484 = tpu.memref_slice %arg7[%dma_start3A_481, %dma_start3A_482, %dma_start3A_483] : memref<2x8x125xi32, #tpu.memory_space<vmem>> -> memref<1x1x125xi32, #tpu.memory_space<vmem>>
        %dma_start3A_485 = tpu.memref_squeeze %dma_start3A_484 : memref<1x1x125xi32, #tpu.memory_space<vmem>> -> memref<125xi32, #tpu.memory_space<vmem>>
        %dma_start3A_486 = arith.constant 0 : i32
        %dma_start3A_487 = arith.constant 0 : i32
        %dma_start3A_488 = tpu.memref_slice %arg2[%dma_start3A_486, %dma_start3A_487] : memref<10000x128xf32, #tpu.memory_space<hbm>> -> memref<10000x128xf32, #tpu.memory_space<hbm>>
        tpu.enqueue_indirect_dma source(%dma_start3A_488 : memref<10000x128xf32, #tpu.memory_space<hbm>>) target(%arg9 : memref<125x128xf32, #tpu.memory_space<vmem>>) offsets(%dma_start3A_485 : memref<125xi32, #tpu.memory_space<vmem>>) semaphore(%arg11 : memref<!tpu.dma_semaphore, #tpu.memory_space<semaphore_mem>>)
      } else {
      }
      %mul3A_448 = arith.constant 8 : i32
      %mul3A_449 = arith.muli %add3A_294, %mul3A_448 : i32
      %add3A_450 = arith.constant 7 : i32
      %add3A_451 = arith.addi %mul3A_449, %add3A_450 : i32
      %dma_wait3A_452 = arith.constant 1 : i32
      %dma_wait3A_453 = arith.constant 7 : i32
      %dma_wait3A_454 = arith.constant 0 : i32
      %dma_wait3A_455 = tpu.memref_slice %arg7[%dma_wait3A_452, %dma_wait3A_453, %dma_wait3A_454] : memref<2x8x125xi32, #tpu.memory_space<vmem>> -> memref<1x1x125xi32, #tpu.memory_space<vmem>>
      %dma_wait3A_456 = tpu.memref_squeeze %dma_wait3A_455 : memref<1x1x125xi32, #tpu.memory_space<vmem>> -> memref<125xi32, #tpu.memory_space<vmem>>
      %dma_wait3A_457 = arith.constant 0 : i32
      %dma_wait3A_458 = arith.constant 0 : i32
      %dma_wait3A_459 = tpu.memref_slice %arg2[%dma_wait3A_457, %dma_wait3A_458] : memref<10000x128xf32, #tpu.memory_space<hbm>> -> memref<10000x128xf32, #tpu.memory_space<hbm>>
      tpu.wait_indirect_dma semaphore(%arg12 : memref<!tpu.dma_semaphore, #tpu.memory_space<semaphore_mem>>) src(%dma_wait3A_459 : memref<10000x128xf32, #tpu.memory_space<hbm>>) dst(%arg10 : memref<125x128xf32, #tpu.memory_space<vmem>>)
      "tpu.region"() ({
        %run_scoped3A = tpu.sem_alloc : memref<!tpu.dma_semaphore, #tpu.memory_space<semaphore_mem>>
        %dma_start3A_481 = arith.constant 0 : i32
        %dma_start3A_482 = tpu.memref_slice %arg8[%add3A_451, %dma_start3A_481] : memref<80x125xi32, #tpu.memory_space<vmem>> -> memref<1x125xi32, #tpu.memory_space<vmem>>
        %dma_start3A_483 = tpu.memref_squeeze %dma_start3A_482 : memref<1x125xi32, #tpu.memory_space<vmem>> -> memref<125xi32, #tpu.memory_space<vmem>>
        %dma_start3A_484 = arith.constant 0 : i32
        %dma_start3A_485 = arith.constant 0 : i32
        %dma_start3A_486 = tpu.memref_slice %arg6[%dma_start3A_484, %dma_start3A_485] : memref<10112x128xf32, #tpu.memory_space<vmem_shared>> -> memref<10112x128xf32, #tpu.memory_space<vmem_shared>>
        tpu.enqueue_indirect_dma source(%arg10 : memref<125x128xf32, #tpu.memory_space<vmem>>) target(%dma_start3A_486 : memref<10112x128xf32, #tpu.memory_space<vmem_shared>>) offsets(%dma_start3A_483 : memref<125xi32, #tpu.memory_space<vmem>>) semaphore(%run_scoped3A : memref<!tpu.dma_semaphore, #tpu.memory_space<semaphore_mem>>) {add = true}
        %dma_wait3A_487 = arith.constant 0 : i32
        %dma_wait3A_488 = tpu.memref_slice %arg8[%add3A_451, %dma_wait3A_487] : memref<80x125xi32, #tpu.memory_space<vmem>> -> memref<1x125xi32, #tpu.memory_space<vmem>>
        %dma_wait3A_489 = tpu.memref_squeeze %dma_wait3A_488 : memref<1x125xi32, #tpu.memory_space<vmem>> -> memref<125xi32, #tpu.memory_space<vmem>>
        %dma_wait3A_490 = arith.constant 0 : i32
        %dma_wait3A_491 = arith.constant 0 : i32
        %dma_wait3A_492 = tpu.memref_slice %arg6[%dma_wait3A_490, %dma_wait3A_491] : memref<10112x128xf32, #tpu.memory_space<vmem_shared>> -> memref<10112x128xf32, #tpu.memory_space<vmem_shared>>
        tpu.wait_indirect_dma semaphore(%run_scoped3A : memref<!tpu.dma_semaphore, #tpu.memory_space<semaphore_mem>>) src(%arg10 : memref<125x128xf32, #tpu.memory_space<vmem>>) dst(%dma_wait3A_492 : memref<10112x128xf32, #tpu.memory_space<vmem_shared>>)
        tpu.yield
      }) : () -> ()
      %add3A_460 = arith.constant 2 : i32
      %add3A_461 = arith.addi %add3A_294, %add3A_460 : i32
      %lt3A_462 = arith.constant 10 : i32
      %lt3A_463 = arith.cmpi slt, %add3A_461, %lt3A_462 : i32
      %convert_element_type3A_464 = arith.extui %lt3A_463 : i1 to i32
      %cond3A_465 = arith.constant 0 : i32
      %cond3A_466 = arith.cmpi ne, %convert_element_type3A_464, %cond3A_465 : i32
      scf.if %cond3A_466 {
        %add3A_481 = arith.constant 2 : i32
        %add3A_482 = arith.addi %add3A_294, %add3A_481 : i32
        %mul3A_483 = arith.constant 8 : i32
        %mul3A_484 = arith.muli %add3A_482, %mul3A_483 : i32
        %add3A_485 = arith.addi %mul3A_21, %mul3A_484 : i32
        %dma_start3A_486 = arith.constant 1 : i32
        %dma_start3A_487 = arith.constant 0 : i32
        %dma_start3A_488 = arith.constant 0 : i32
        %dma_start3A_489 = tpu.memref_slice %arg7[%dma_start3A_486, %dma_start3A_487, %dma_start3A_488] : memref<2x8x125xi32, #tpu.memory_space<vmem>> -> memref<1x8x125xi32, #tpu.memory_space<vmem>>
        %dma_start3A_490 = tpu.memref_squeeze %dma_start3A_489 : memref<1x8x125xi32, #tpu.memory_space<vmem>> -> memref<8x125xi32, #tpu.memory_space<vmem>>
        %dma_start3A_491 = arith.constant 0 : i32
        %dma_start3A_492 = tpu.memref_slice %arg3[%add3A_485, %dma_start3A_491] : memref<2560x125xi32, #tpu.memory_space<hbm>> -> memref<8x125xi32, #tpu.memory_space<hbm>>
        %dma_start3A_493 = arith.constant 0 : i32
        %dma_start3A_494 = arith.constant 0 : i32
        %dma_start3A_495 = tpu.memref_slice %arg7[%dma_start3A_486, %dma_start3A_493, %dma_start3A_494] : memref<2x8x125xi32, #tpu.memory_space<vmem>> -> memref<1x8x125xi32, #tpu.memory_space<vmem>>
        %dma_start3A_496 = tpu.memref_squeeze %dma_start3A_495 : memref<1x8x125xi32, #tpu.memory_space<vmem>> -> memref<8x125xi32, #tpu.memory_space<vmem>>
        %dma_start3A_497 = arith.constant 0 : i32
        %dma_start3A_498 = tpu.memref_slice %arg3[%add3A_485, %dma_start3A_497] : memref<2560x125xi32, #tpu.memory_space<hbm>> -> memref<8x125xi32, #tpu.memory_space<hbm>>
        tpu.enqueue_dma source(%dma_start3A_498 : memref<8x125xi32, #tpu.memory_space<hbm>>) target(%dma_start3A_496 : memref<8x125xi32, #tpu.memory_space<vmem>>) target_semaphore(%arg14 : memref<!tpu.dma_semaphore, #tpu.memory_space<semaphore_mem>>)
      } else {
      }
      %add3A_467 = arith.constant 1 : i32
      %add3A_468 = arith.addi %add3A_294, %add3A_467 : i32
      %lt3A_469 = arith.constant 10 : i32
      %lt3A_470 = arith.cmpi slt, %add3A_468, %lt3A_469 : i32
      %convert_element_type3A_471 = arith.extui %lt3A_470 : i1 to i32
      %cond3A_472 = arith.constant 0 : i32
      %cond3A_473 = arith.cmpi ne, %convert_element_type3A_471, %cond3A_472 : i32
      scf.if %cond3A_473 {
        %dma_start3A_481 = arith.constant 0 : i32
        %dma_start3A_482 = arith.constant 1 : i32
        %dma_start3A_483 = arith.constant 0 : i32
        %dma_start3A_484 = tpu.memref_slice %arg7[%dma_start3A_481, %dma_start3A_482, %dma_start3A_483] : memref<2x8x125xi32, #tpu.memory_space<vmem>> -> memref<1x1x125xi32, #tpu.memory_space<vmem>>
        %dma_start3A_485 = tpu.memref_squeeze %dma_start3A_484 : memref<1x1x125xi32, #tpu.memory_space<vmem>> -> memref<125xi32, #tpu.memory_space<vmem>>
        %dma_start3A_486 = arith.constant 0 : i32
        %dma_start3A_487 = arith.constant 0 : i32
        %dma_start3A_488 = tpu.memref_slice %arg2[%dma_start3A_486, %dma_start3A_487] : memref<10000x128xf32, #tpu.memory_space<hbm>> -> memref<10000x128xf32, #tpu.memory_space<hbm>>
        tpu.enqueue_indirect_dma source(%dma_start3A_488 : memref<10000x128xf32, #tpu.memory_space<hbm>>) target(%arg10 : memref<125x128xf32, #tpu.memory_space<vmem>>) offsets(%dma_start3A_485 : memref<125xi32, #tpu.memory_space<vmem>>) semaphore(%arg12 : memref<!tpu.dma_semaphore, #tpu.memory_space<semaphore_mem>>)
      } else {
      }
      %add3A_474 = arith.constant 1 : i32
      %add3A_475 = arith.addi %add3A_294, %add3A_474 : i32
      %ge3A_476 = arith.constant 10 : i32
      %ge3A_477 = arith.cmpi sge, %add3A_475, %ge3A_476 : i32
      %convert_element_type3A_478 = arith.extui %ge3A_477 : i1 to i32
      %cond3A_479 = arith.constant 0 : i32
      %cond3A_480 = arith.cmpi ne, %convert_element_type3A_478, %cond3A_479 : i32
      scf.if %cond3A_480 {
        %dma_start3A_481 = arith.constant 1 : i32
        %dma_start3A_482 = arith.constant 7 : i32
        %dma_start3A_483 = arith.constant 0 : i32
        %dma_start3A_484 = tpu.memref_slice %arg7[%dma_start3A_481, %dma_start3A_482, %dma_start3A_483] : memref<2x8x125xi32, #tpu.memory_space<vmem>> -> memref<1x1x125xi32, #tpu.memory_space<vmem>>
        %dma_start3A_485 = tpu.memref_squeeze %dma_start3A_484 : memref<1x1x125xi32, #tpu.memory_space<vmem>> -> memref<125xi32, #tpu.memory_space<vmem>>
        %dma_start3A_486 = arith.constant 0 : i32
        %dma_start3A_487 = arith.constant 0 : i32
        %dma_start3A_488 = tpu.memref_slice %arg2[%dma_start3A_486, %dma_start3A_487] : memref<10000x128xf32, #tpu.memory_space<hbm>> -> memref<10000x128xf32, #tpu.memory_space<hbm>>
        tpu.enqueue_indirect_dma source(%dma_start3A_488 : memref<10000x128xf32, #tpu.memory_space<hbm>>) target(%arg10 : memref<125x128xf32, #tpu.memory_space<vmem>>) offsets(%dma_start3A_485 : memref<125xi32, #tpu.memory_space<vmem>>) semaphore(%arg12 : memref<!tpu.dma_semaphore, #tpu.memory_space<semaphore_mem>>)
      } else {
      }
    }
    %scan3A_86 = arith.constant 5 : i32
    %dma_wait3A_87 = arith.constant 0 : i32
    %dma_wait3A_88 = arith.constant 0 : i32
    %dma_wait3A_89 = arith.constant 0 : i32
    %dma_wait3A_90 = tpu.memref_slice %arg7[%dma_wait3A_87, %dma_wait3A_88, %dma_wait3A_89] : memref<2x8x125xi32, #tpu.memory_space<vmem>> -> memref<1x1x125xi32, #tpu.memory_space<vmem>>
    %dma_wait3A_91 = tpu.memref_squeeze %dma_wait3A_90 : memref<1x1x125xi32, #tpu.memory_space<vmem>> -> memref<125xi32, #tpu.memory_space<vmem>>
    %dma_wait3A_92 = arith.constant 0 : i32
    %dma_wait3A_93 = arith.constant 0 : i32
    %dma_wait3A_94 = tpu.memref_slice %arg2[%dma_wait3A_92, %dma_wait3A_93] : memref<10000x128xf32, #tpu.memory_space<hbm>> -> memref<10000x128xf32, #tpu.memory_space<hbm>>
    tpu.wait_indirect_dma semaphore(%arg11 : memref<!tpu.dma_semaphore, #tpu.memory_space<semaphore_mem>>) src(%dma_wait3A_94 : memref<10000x128xf32, #tpu.memory_space<hbm>>) dst(%arg9 : memref<125x128xf32, #tpu.memory_space<vmem>>)
    %dma_wait3A_95 = arith.constant 0 : i32
    %dma_wait3A_96 = arith.constant 0 : i32
    %dma_wait3A_97 = arith.constant 0 : i32
    %dma_wait3A_98 = tpu.memref_slice %arg7[%dma_wait3A_95, %dma_wait3A_96, %dma_wait3A_97] : memref<2x8x125xi32, #tpu.memory_space<vmem>> -> memref<1x1x125xi32, #tpu.memory_space<vmem>>
    %dma_wait3A_99 = tpu.memref_squeeze %dma_wait3A_98 : memref<1x1x125xi32, #tpu.memory_space<vmem>> -> memref<125xi32, #tpu.memory_space<vmem>>
    %dma_wait3A_100 = arith.constant 0 : i32
    %dma_wait3A_101 = arith.constant 0 : i32
    %dma_wait3A_102 = tpu.memref_slice %arg2[%dma_wait3A_100, %dma_wait3A_101] : memref<10000x128xf32, #tpu.memory_space<hbm>> -> memref<10000x128xf32, #tpu.memory_space<hbm>>
    tpu.wait_indirect_dma semaphore(%arg12 : memref<!tpu.dma_semaphore, #tpu.memory_space<semaphore_mem>>) src(%dma_wait3A_102 : memref<10000x128xf32, #tpu.memory_space<hbm>>) dst(%arg10 : memref<125x128xf32, #tpu.memory_space<vmem>>)
    %barrier3A_103 = arith.constant 0 : index
    tpu.barrier barrier_id(%barrier3A_103)
    "tpu.region"() ({
      %run_scoped3A = tpu.sem_alloc : memref<!tpu.dma_semaphore, #tpu.memory_space<semaphore_mem>>
      %dma_start3A_104 = arith.constant 0 : i32
      %dma_start3A_105 = tpu.memref_slice %arg5[%arg0, %mul3A_2, %dma_start3A_104] : memref<2x10112x128xf32, #tpu.memory_space<hbm>> -> memref<1x632x128xf32, #tpu.memory_space<hbm>>
      %dma_start3A_106 = tpu.memref_squeeze %dma_start3A_105 : memref<1x632x128xf32, #tpu.memory_space<hbm>> -> memref<632x128xf32, #tpu.memory_space<hbm>>
      %dma_start3A_107 = arith.constant 0 : i32
      %dma_start3A_108 = tpu.memref_slice %arg6[%mul3A_2, %dma_start3A_107] : memref<10112x128xf32, #tpu.memory_space<vmem_shared>> -> memref<632x128xf32, #tpu.memory_space<vmem_shared>>
      tpu.enqueue_dma source(%dma_start3A_108 : memref<632x128xf32, #tpu.memory_space<vmem_shared>>) target(%dma_start3A_106 : memref<632x128xf32, #tpu.memory_space<hbm>>) target_semaphore(%run_scoped3A : memref<!tpu.dma_semaphore, #tpu.memory_space<semaphore_mem>>)
      %dma_wait3A_109 = arith.constant 0 : i32
      %dma_wait3A_110 = tpu.memref_slice %arg5[%arg0, %mul3A_2, %dma_wait3A_109] : memref<2x10112x128xf32, #tpu.memory_space<hbm>> -> memref<1x632x128xf32, #tpu.memory_space<hbm>>
      %dma_wait3A_111 = tpu.memref_squeeze %dma_wait3A_110 : memref<1x632x128xf32, #tpu.memory_space<hbm>> -> memref<632x128xf32, #tpu.memory_space<hbm>>
      %dma_wait3A_112 = arith.constant 0 : i32
      %dma_wait3A_113 = tpu.memref_slice %arg6[%mul3A_2, %dma_wait3A_112] : memref<10112x128xf32, #tpu.memory_space<vmem_shared>> -> memref<632x128xf32, #tpu.memory_space<vmem_shared>>
      tpu.wait_dma2 semaphore(%run_scoped3A : memref<!tpu.dma_semaphore, #tpu.memory_space<semaphore_mem>>) src(%dma_wait3A_113 : memref<632x128xf32, #tpu.memory_space<vmem_shared>>) dst(%dma_wait3A_111 : memref<632x128xf32, #tpu.memory_space<hbm>>)
      tpu.yield
    }) : () -> ()
    return
  }
}

module attributes {stable_mosaic.version = 14 : i64} {
  func.func @_tc1_body(%arg0: i32, %arg1: memref<1000x128xf32, #tpu.memory_space<vmem>>, %arg2: memref<128x128xf32, #tpu.memory_space<vmem>>, %arg3: memref<1x128xf32, #tpu.memory_space<vmem>>, %arg4: memref<128x128xf32, #tpu.memory_space<vmem>>, %arg5: memref<1x128xf32, #tpu.memory_space<vmem>>, %arg6: memref<1000x128xf32, #tpu.memory_space<vmem>>, %arg7: memref<8x128xf32, #tpu.memory_space<vmem>>) attributes {dimension_semantics = [#tpu.dimension_semantics<arbitrary>], iteration_bounds = array<i64: 10>, scalar_prefetch = 0 : i64, scratch_operands = 0 : i64, tpu.core_type = #tpu.core_type<tc>, window_params = [{transform_indices = @transform_0, window_bounds = array<i64: 1000, 128>}, {pipeline_mode = #tpu.pipeline_mode<synchronous>, transform_indices = @transform_1, window_bounds = array<i64: 128, 128>}, {pipeline_mode = #tpu.pipeline_mode<synchronous>, transform_indices = @transform_2, window_bounds = array<i64: 1, 128>}, {pipeline_mode = #tpu.pipeline_mode<synchronous>, transform_indices = @transform_3, window_bounds = array<i64: 128, 128>}, {pipeline_mode = #tpu.pipeline_mode<synchronous>, transform_indices = @transform_4, window_bounds = array<i64: 1, 128>}, {transform_indices = @transform_5, window_bounds = array<i64: 1000, 128>}, {pipeline_mode = #tpu.pipeline_mode<synchronous>, transform_indices = @transform_6, window_bounds = array<i64: 8, 128>}]} {
    %get3A = arith.constant 0 : index
    %get3A_0 = arith.constant 0 : index
    %get3A_1 = vector.load %arg1[%get3A, %get3A_0] : memref<1000x128xf32, #tpu.memory_space<vmem>>, vector<1000x128xf32>
    %get3A_2 = arith.constant 0 : index
    %get3A_3 = arith.constant 0 : index
    %get3A_4 = vector.load %arg2[%get3A_2, %get3A_3] : memref<128x128xf32, #tpu.memory_space<vmem>>, vector<128x128xf32>
    %dot_general3A = arith.constant dense<0.000000e+00> : vector<1000x128xf32>
    %dot_general3A_5 = tpu.matmul %get3A_1, %get3A_4, %dot_general3A {dimension_numbers = #tpu.dot_dimension_numbers<[1], [0], [0], [1], [0, 0, 1, 1], [], []>, transpose_lhs_hint = false} : vector<1000x128xf32>, vector<128x128xf32>, vector<1000x128xf32> -> vector<1000x128xf32>
    %get3A_6 = arith.constant 0 : index
    %get3A_7 = arith.constant 0 : index
    %get3A_8 = vector.load %arg3[%get3A_6, %get3A_7] : memref<1x128xf32, #tpu.memory_space<vmem>>, vector<1x128xf32>
    %add3A = vector.broadcast %get3A_8 : vector<1x128xf32> to vector<1000x128xf32>
    %add3A_9 = arith.addf %dot_general3A_5, %add3A : vector<1000x128xf32>
    %mul3A = arith.mulf %add3A_9, %add3A_9 : vector<1000x128xf32>
    %reduce_sum3A = arith.constant dense<0.000000e+00> : vector<1000xf32>
    %reduce_sum3A_10 = vector.multi_reduction <add>, %mul3A, %reduce_sum3A [1] : vector<1000x128xf32> to vector<1000xf32>
    %broadcast_in_dim3A = vector.shape_cast %reduce_sum3A_10 : vector<1000xf32> to vector<1000x1xf32>
    %sqrt3A = math.sqrt %broadcast_in_dim3A : vector<1000x1xf32>
    %add3A_11 = arith.constant 9.99999993E-9 : f32
    %add3A_12 = vector.broadcast %add3A_11 : f32 to vector<1000x1xf32>
    %add3A_13 = arith.addf %sqrt3A, %add3A_12 : vector<1000x1xf32>
    %div3A = vector.broadcast %add3A_13 : vector<1000x1xf32> to vector<1000x128xf32>
    %div3A_14 = arith.divf %add3A_9, %div3A : vector<1000x128xf32>
    %get3A_15 = arith.constant 0 : index
    %get3A_16 = arith.constant 0 : index
    %get3A_17 = vector.load %arg4[%get3A_15, %get3A_16] : memref<128x128xf32, #tpu.memory_space<vmem>>, vector<128x128xf32>
    %dot_general3A_18 = arith.constant dense<0.000000e+00> : vector<1000x128xf32>
    %dot_general3A_19 = tpu.matmul %div3A_14, %get3A_17, %dot_general3A_18 {dimension_numbers = #tpu.dot_dimension_numbers<[1], [0], [0], [1], [0, 0, 1, 1], [], []>, transpose_lhs_hint = false} : vector<1000x128xf32>, vector<128x128xf32>, vector<1000x128xf32> -> vector<1000x128xf32>
    %get3A_20 = arith.constant 0 : index
    %get3A_21 = arith.constant 0 : index
    %get3A_22 = vector.load %arg5[%get3A_20, %get3A_21] : memref<1x128xf32, #tpu.memory_space<vmem>>, vector<1x128xf32>
    %add3A_23 = vector.broadcast %get3A_22 : vector<1x128xf32> to vector<1000x128xf32>
    %add3A_24 = arith.addf %dot_general3A_19, %add3A_23 : vector<1000x128xf32>
    %swap3A = arith.constant 0 : index
    %swap3A_25 = arith.constant 0 : index
    %swap3A_26 = vector.load %arg6[%swap3A, %swap3A_25] : memref<1000x128xf32, #tpu.memory_space<vmem>>, vector<1000x128xf32>
    tpu.vector_store %arg6[%swap3A, %swap3A_25], %add3A_24 {strides = array<i32>} : memref<1000x128xf32, #tpu.memory_space<vmem>>, vector<1000x128xf32>,
    %eq3A = arith.constant 0 : i32
    %eq3A_27 = arith.cmpi eq, %arg0, %eq3A : i32
    %convert_element_type3A = arith.extui %eq3A_27 : i1 to i32
    %cond3A = arith.constant 0 : i32
    %cond3A_28 = arith.cmpi ne, %convert_element_type3A, %cond3A : i32
    scf.if %cond3A_28 {
      %slice3A = vector.extract_strided_slice %div3A_14 {offsets = [0, 0], sizes = [8, 128], strides = [1, 1]} : vector<1000x128xf32> to vector<8x128xf32>
      %swap3A_29 = arith.constant 0 : index
      %swap3A_30 = arith.constant 0 : index
      %swap3A_31 = vector.load %arg7[%swap3A_29, %swap3A_30] : memref<8x128xf32, #tpu.memory_space<vmem>>, vector<8x128xf32>
      tpu.vector_store %arg7[%swap3A_29, %swap3A_30], %slice3A {strides = array<i32>} : memref<8x128xf32, #tpu.memory_space<vmem>>, vector<8x128xf32>,
    } else {
    }
    return
  }
  func.func @transform_0(%arg0: i32) -> (i32, i32) {
    %c0_i32 = arith.constant 0 : i32
    %c0_i32_0 = arith.constant 0 : i32
    return %arg0, %c0_i32 : i32, i32
  }
  func.func @transform_1(%arg0: i32) -> (i32, i32) {
    %c0_i32 = arith.constant 0 : i32
    %c0_i32_0 = arith.constant 0 : i32
    %c0_i32_1 = arith.constant 0 : i32
    return %c0_i32, %c0_i32_0 : i32, i32
  }
  func.func @transform_2(%arg0: i32) -> (i32, i32) {
    %c0_i32 = arith.constant 0 : i32
    %c0_i32_0 = arith.constant 0 : i32
    %c0_i32_1 = arith.constant 0 : i32
    return %c0_i32, %c0_i32_0 : i32, i32
  }
  func.func @transform_3(%arg0: i32) -> (i32, i32) {
    %c0_i32 = arith.constant 0 : i32
    %c0_i32_0 = arith.constant 0 : i32
    %c0_i32_1 = arith.constant 0 : i32
    return %c0_i32, %c0_i32_0 : i32, i32
  }
  func.func @transform_4(%arg0: i32) -> (i32, i32) {
    %c0_i32 = arith.constant 0 : i32
    %c0_i32_0 = arith.constant 0 : i32
    %c0_i32_1 = arith.constant 0 : i32
    return %c0_i32, %c0_i32_0 : i32, i32
  }
  func.func @transform_5(%arg0: i32) -> (i32, i32) {
    %c0_i32 = arith.constant 0 : i32
    %c0_i32_0 = arith.constant 0 : i32
    return %arg0, %c0_i32 : i32, i32
  }
  func.func @transform_6(%arg0: i32) -> (i32, i32) {
    %c0_i32 = arith.constant 0 : i32
    %c0_i32_0 = arith.constant 0 : i32
    %c0_i32_1 = arith.constant 0 : i32
    return %c0_i32, %c0_i32_0 : i32, i32
  }
}

module attributes {stable_mosaic.version = 14 : i64} {
  func.func @_tc2_body(%arg0: i32, %arg1: memref<1x1000x128xf32, #tpu.memory_space<vmem>>, %arg2: memref<1x1000x128xf32, #tpu.memory_space<vmem>>, %arg3: memref<1x8x128xf32, #tpu.memory_space<vmem>>, %arg4: memref<1x8x128xf32, #tpu.memory_space<vmem>>, %arg5: memref<8x128xf32, #tpu.memory_space<vmem>>, %arg6: memref<128x128xf32, #tpu.memory_space<vmem>>, %arg7: memref<1x128xf32, #tpu.memory_space<vmem>>, %arg8: memref<1000x128xf32, #tpu.memory_space<vmem>>) attributes {dimension_semantics = [#tpu.dimension_semantics<arbitrary>], iteration_bounds = array<i64: 10>, scalar_prefetch = 0 : i64, scratch_operands = 0 : i64, tpu.core_type = #tpu.core_type<tc>, window_params = [{transform_indices = @transform_0, window_bounds = array<i64: 1, 1000, 128>}, {transform_indices = @transform_1, window_bounds = array<i64: 1, 1000, 128>}, {transform_indices = @transform_2, window_bounds = array<i64: 1, 8, 128>}, {transform_indices = @transform_3, window_bounds = array<i64: 1, 8, 128>}, {pipeline_mode = #tpu.pipeline_mode<synchronous>, transform_indices = @transform_4, window_bounds = array<i64: 8, 128>}, {pipeline_mode = #tpu.pipeline_mode<synchronous>, transform_indices = @transform_5, window_bounds = array<i64: 128, 128>}, {pipeline_mode = #tpu.pipeline_mode<synchronous>, transform_indices = @transform_6, window_bounds = array<i64: 1, 128>}, {transform_indices = @transform_7, window_bounds = array<i64: 1000, 128>}]} {
    %get3A = arith.constant 0 : index
    %get3A_0 = arith.constant 0 : index
    %get3A_1 = arith.constant 0 : index
    %get3A_2 = vector.load %arg3[%get3A, %get3A_0, %get3A_1] : memref<1x8x128xf32, #tpu.memory_space<vmem>>, vector<1x8x128xf32>
    %get3A_3 = vector.shape_cast %get3A_2 : vector<1x8x128xf32> to vector<8x128xf32>
    %get3A_4 = arith.constant 0 : index
    %get3A_5 = arith.constant 0 : index
    %get3A_6 = arith.constant 0 : index
    %get3A_7 = vector.load %arg4[%get3A_4, %get3A_5, %get3A_6] : memref<1x8x128xf32, #tpu.memory_space<vmem>>, vector<1x8x128xf32>
    %get3A_8 = vector.shape_cast %get3A_7 : vector<1x8x128xf32> to vector<8x128xf32>
    %add3A = arith.addf %get3A_3, %get3A_8 : vector<8x128xf32>
    %mul3A = arith.mulf %add3A, %add3A : vector<8x128xf32>
    %reduce_sum3A = arith.constant dense<0.000000e+00> : vector<8xf32>
    %reduce_sum3A_9 = vector.multi_reduction <add>, %mul3A, %reduce_sum3A [1] : vector<8x128xf32> to vector<8xf32>
    %broadcast_in_dim3A = vector.shape_cast %reduce_sum3A_9 : vector<8xf32> to vector<8x1xf32>
    %sqrt3A = math.sqrt %broadcast_in_dim3A : vector<8x1xf32>
    %add3A_10 = arith.constant 9.99999993E-9 : f32
    %add3A_11 = vector.broadcast %add3A_10 : f32 to vector<8x1xf32>
    %add3A_12 = arith.addf %sqrt3A, %add3A_11 : vector<8x1xf32>
    %div3A = vector.broadcast %add3A_12 : vector<8x1xf32> to vector<8x128xf32>
    %div3A_13 = arith.divf %add3A, %div3A : vector<8x128xf32>
    %get3A_14 = arith.constant 0 : index
    %get3A_15 = arith.constant 0 : index
    %get3A_16 = vector.load %arg5[%get3A_14, %get3A_15] : memref<8x128xf32, #tpu.memory_space<vmem>>, vector<4x128xf32>
    %dot_general3A = arith.constant dense<0.000000e+00> : vector<4x4xf32>
    %dot_general3A_17 = tpu.matmul %get3A_16, %get3A_16, %dot_general3A {dimension_numbers = #tpu.dot_dimension_numbers<[1], [1], [0], [0], [0, 0, 1, 0], [], []>, transpose_lhs_hint = false} : vector<4x128xf32>, vector<4x128xf32>, vector<4x4xf32> -> vector<4x4xf32>
    %slice3A = vector.extract_strided_slice %dot_general3A_17 {offsets = [0, 2], sizes = [1, 1], strides = [1, 1]} : vector<4x4xf32> to vector<1x1xf32>
    %squeeze3A = vector.extract %slice3A[0, 0] : f32 from vector<1x1xf32>
    %slice3A_18 = vector.extract_strided_slice %dot_general3A_17 {offsets = [0, 2], sizes = [1, 1], strides = [1, 1]} : vector<4x4xf32> to vector<1x1xf32>
    %squeeze3A_19 = vector.extract %slice3A_18[0, 0] : f32 from vector<1x1xf32>
    %mul3A_20 = arith.mulf %squeeze3A, %squeeze3A_19 : f32
    %slice3A_21 = vector.extract_strided_slice %dot_general3A_17 {offsets = [0, 0], sizes = [1, 1], strides = [1, 1]} : vector<4x4xf32> to vector<1x1xf32>
    %squeeze3A_22 = vector.extract %slice3A_21[0, 0] : f32 from vector<1x1xf32>
    %slice3A_23 = vector.extract_strided_slice %dot_general3A_17 {offsets = [2, 2], sizes = [1, 1], strides = [1, 1]} : vector<4x4xf32> to vector<1x1xf32>
    %squeeze3A_24 = vector.extract %slice3A_23[0, 0] : f32 from vector<1x1xf32>
    %mul3A_25 = arith.mulf %squeeze3A_22, %squeeze3A_24 : f32
    %add3A_26 = arith.constant 9.99999993E-9 : f32
    %add3A_27 = arith.addf %mul3A_25, %add3A_26 : f32
    %div3A_28 = arith.divf %mul3A_20, %add3A_27 : f32
    %sub3A = arith.constant 1.000000e+00 : f32
    %sub3A_29 = arith.subf %sub3A, %div3A_28 : f32
    %slice3A_30 = vector.extract_strided_slice %dot_general3A_17 {offsets = [1, 3], sizes = [1, 1], strides = [1, 1]} : vector<4x4xf32> to vector<1x1xf32>
    %squeeze3A_31 = vector.extract %slice3A_30[0, 0] : f32 from vector<1x1xf32>
    %slice3A_32 = vector.extract_strided_slice %dot_general3A_17 {offsets = [1, 3], sizes = [1, 1], strides = [1, 1]} : vector<4x4xf32> to vector<1x1xf32>
    %squeeze3A_33 = vector.extract %slice3A_32[0, 0] : f32 from vector<1x1xf32>
    %mul3A_34 = arith.mulf %squeeze3A_31, %squeeze3A_33 : f32
    %slice3A_35 = vector.extract_strided_slice %dot_general3A_17 {offsets = [1, 1], sizes = [1, 1], strides = [1, 1]} : vector<4x4xf32> to vector<1x1xf32>
    %squeeze3A_36 = vector.extract %slice3A_35[0, 0] : f32 from vector<1x1xf32>
    %slice3A_37 = vector.extract_strided_slice %dot_general3A_17 {offsets = [3, 3], sizes = [1, 1], strides = [1, 1]} : vector<4x4xf32> to vector<1x1xf32>
    %squeeze3A_38 = vector.extract %slice3A_37[0, 0] : f32 from vector<1x1xf32>
    %mul3A_39 = arith.mulf %squeeze3A_36, %squeeze3A_38 : f32
    %add3A_40 = arith.constant 9.99999993E-9 : f32
    %add3A_41 = arith.addf %mul3A_39, %add3A_40 : f32
    %div3A_42 = arith.divf %mul3A_34, %add3A_41 : f32
    %sub3A_43 = arith.constant 1.000000e+00 : f32
    %sub3A_44 = arith.subf %sub3A_43, %div3A_42 : f32
    %mul3A_45 = arith.mulf %sub3A_29, %sub3A_44 : f32
    %slice3A_46 = vector.extract_strided_slice %dot_general3A_17 {offsets = [0, 3], sizes = [1, 1], strides = [1, 1]} : vector<4x4xf32> to vector<1x1xf32>
    %squeeze3A_47 = vector.extract %slice3A_46[0, 0] : f32 from vector<1x1xf32>
    %slice3A_48 = vector.extract_strided_slice %dot_general3A_17 {offsets = [0, 3], sizes = [1, 1], strides = [1, 1]} : vector<4x4xf32> to vector<1x1xf32>
    %squeeze3A_49 = vector.extract %slice3A_48[0, 0] : f32 from vector<1x1xf32>
    %mul3A_50 = arith.mulf %squeeze3A_47, %squeeze3A_49 : f32
    %slice3A_51 = vector.extract_strided_slice %dot_general3A_17 {offsets = [0, 0], sizes = [1, 1], strides = [1, 1]} : vector<4x4xf32> to vector<1x1xf32>
    %squeeze3A_52 = vector.extract %slice3A_51[0, 0] : f32 from vector<1x1xf32>
    %slice3A_53 = vector.extract_strided_slice %dot_general3A_17 {offsets = [3, 3], sizes = [1, 1], strides = [1, 1]} : vector<4x4xf32> to vector<1x1xf32>
    %squeeze3A_54 = vector.extract %slice3A_53[0, 0] : f32 from vector<1x1xf32>
    %mul3A_55 = arith.mulf %squeeze3A_52, %squeeze3A_54 : f32
    %add3A_56 = arith.constant 9.99999993E-9 : f32
    %add3A_57 = arith.addf %mul3A_55, %add3A_56 : f32
    %div3A_58 = arith.divf %mul3A_50, %add3A_57 : f32
    %sub3A_59 = arith.constant 1.000000e+00 : f32
    %sub3A_60 = arith.subf %sub3A_59, %div3A_58 : f32
    %slice3A_61 = vector.extract_strided_slice %dot_general3A_17 {offsets = [1, 2], sizes = [1, 1], strides = [1, 1]} : vector<4x4xf32> to vector<1x1xf32>
    %squeeze3A_62 = vector.extract %slice3A_61[0, 0] : f32 from vector<1x1xf32>
    %slice3A_63 = vector.extract_strided_slice %dot_general3A_17 {offsets = [1, 2], sizes = [1, 1], strides = [1, 1]} : vector<4x4xf32> to vector<1x1xf32>
    %squeeze3A_64 = vector.extract %slice3A_63[0, 0] : f32 from vector<1x1xf32>
    %mul3A_65 = arith.mulf %squeeze3A_62, %squeeze3A_64 : f32
    %slice3A_66 = vector.extract_strided_slice %dot_general3A_17 {offsets = [1, 1], sizes = [1, 1], strides = [1, 1]} : vector<4x4xf32> to vector<1x1xf32>
    %squeeze3A_67 = vector.extract %slice3A_66[0, 0] : f32 from vector<1x1xf32>
    %slice3A_68 = vector.extract_strided_slice %dot_general3A_17 {offsets = [2, 2], sizes = [1, 1], strides = [1, 1]} : vector<4x4xf32> to vector<1x1xf32>
    %squeeze3A_69 = vector.extract %slice3A_68[0, 0] : f32 from vector<1x1xf32>
    %mul3A_70 = arith.mulf %squeeze3A_67, %squeeze3A_69 : f32
    %add3A_71 = arith.constant 9.99999993E-9 : f32
    %add3A_72 = arith.addf %mul3A_70, %add3A_71 : f32
    %div3A_73 = arith.divf %mul3A_65, %add3A_72 : f32
    %sub3A_74 = arith.constant 1.000000e+00 : f32
    %sub3A_75 = arith.subf %sub3A_74, %div3A_73 : f32
    %mul3A_76 = arith.mulf %sub3A_60, %sub3A_75 : f32
    %add3A_77 = arith.constant 9.99999993E-9 : f32
    %add3A_78 = arith.addf %mul3A_76, %add3A_77 : f32
    %div3A_79 = arith.divf %mul3A_45, %add3A_78 : f32
    %slice3A_80 = vector.extract_strided_slice %div3A_13 {offsets = [0, 0], sizes = [4, 128], strides = [1, 1]} : vector<8x128xf32> to vector<4x128xf32>
    %dot_general3A_81 = arith.constant dense<0.000000e+00> : vector<4x4xf32>
    %dot_general3A_82 = tpu.matmul %slice3A_80, %slice3A_80, %dot_general3A_81 {dimension_numbers = #tpu.dot_dimension_numbers<[1], [1], [0], [0], [0, 0, 1, 0], [], []>, transpose_lhs_hint = false} : vector<4x128xf32>, vector<4x128xf32>, vector<4x4xf32> -> vector<4x4xf32>
    %slice3A_83 = vector.extract_strided_slice %dot_general3A_82 {offsets = [0, 2], sizes = [1, 1], strides = [1, 1]} : vector<4x4xf32> to vector<1x1xf32>
    %squeeze3A_84 = vector.extract %slice3A_83[0, 0] : f32 from vector<1x1xf32>
    %slice3A_85 = vector.extract_strided_slice %dot_general3A_82 {offsets = [0, 2], sizes = [1, 1], strides = [1, 1]} : vector<4x4xf32> to vector<1x1xf32>
    %squeeze3A_86 = vector.extract %slice3A_85[0, 0] : f32 from vector<1x1xf32>
    %mul3A_87 = arith.mulf %squeeze3A_84, %squeeze3A_86 : f32
    %slice3A_88 = vector.extract_strided_slice %dot_general3A_82 {offsets = [0, 0], sizes = [1, 1], strides = [1, 1]} : vector<4x4xf32> to vector<1x1xf32>
    %squeeze3A_89 = vector.extract %slice3A_88[0, 0] : f32 from vector<1x1xf32>
    %slice3A_90 = vector.extract_strided_slice %dot_general3A_82 {offsets = [2, 2], sizes = [1, 1], strides = [1, 1]} : vector<4x4xf32> to vector<1x1xf32>
    %squeeze3A_91 = vector.extract %slice3A_90[0, 0] : f32 from vector<1x1xf32>
    %mul3A_92 = arith.mulf %squeeze3A_89, %squeeze3A_91 : f32
    %add3A_93 = arith.constant 9.99999993E-9 : f32
    %add3A_94 = arith.addf %mul3A_92, %add3A_93 : f32
    %div3A_95 = arith.divf %mul3A_87, %add3A_94 : f32
    %sub3A_96 = arith.constant 1.000000e+00 : f32
    %sub3A_97 = arith.subf %sub3A_96, %div3A_95 : f32
    %slice3A_98 = vector.extract_strided_slice %dot_general3A_82 {offsets = [1, 3], sizes = [1, 1], strides = [1, 1]} : vector<4x4xf32> to vector<1x1xf32>
    %squeeze3A_99 = vector.extract %slice3A_98[0, 0] : f32 from vector<1x1xf32>
    %slice3A_100 = vector.extract_strided_slice %dot_general3A_82 {offsets = [1, 3], sizes = [1, 1], strides = [1, 1]} : vector<4x4xf32> to vector<1x1xf32>
    %squeeze3A_101 = vector.extract %slice3A_100[0, 0] : f32 from vector<1x1xf32>
    %mul3A_102 = arith.mulf %squeeze3A_99, %squeeze3A_101 : f32
    %slice3A_103 = vector.extract_strided_slice %dot_general3A_82 {offsets = [1, 1], sizes = [1, 1], strides = [1, 1]} : vector<4x4xf32> to vector<1x1xf32>
    %squeeze3A_104 = vector.extract %slice3A_103[0, 0] : f32 from vector<1x1xf32>
    %slice3A_105 = vector.extract_strided_slice %dot_general3A_82 {offsets = [3, 3], sizes = [1, 1], strides = [1, 1]} : vector<4x4xf32> to vector<1x1xf32>
    %squeeze3A_106 = vector.extract %slice3A_105[0, 0] : f32 from vector<1x1xf32>
    %mul3A_107 = arith.mulf %squeeze3A_104, %squeeze3A_106 : f32
    %add3A_108 = arith.constant 9.99999993E-9 : f32
    %add3A_109 = arith.addf %mul3A_107, %add3A_108 : f32
    %div3A_110 = arith.divf %mul3A_102, %add3A_109 : f32
    %sub3A_111 = arith.constant 1.000000e+00 : f32
    %sub3A_112 = arith.subf %sub3A_111, %div3A_110 : f32
    %mul3A_113 = arith.mulf %sub3A_97, %sub3A_112 : f32
    %slice3A_114 = vector.extract_strided_slice %dot_general3A_82 {offsets = [0, 3], sizes = [1, 1], strides = [1, 1]} : vector<4x4xf32> to vector<1x1xf32>
    %squeeze3A_115 = vector.extract %slice3A_114[0, 0] : f32 from vector<1x1xf32>
    %slice3A_116 = vector.extract_strided_slice %dot_general3A_82 {offsets = [0, 3], sizes = [1, 1], strides = [1, 1]} : vector<4x4xf32> to vector<1x1xf32>
    %squeeze3A_117 = vector.extract %slice3A_116[0, 0] : f32 from vector<1x1xf32>
    %mul3A_118 = arith.mulf %squeeze3A_115, %squeeze3A_117 : f32
    %slice3A_119 = vector.extract_strided_slice %dot_general3A_82 {offsets = [0, 0], sizes = [1, 1], strides = [1, 1]} : vector<4x4xf32> to vector<1x1xf32>
    %squeeze3A_120 = vector.extract %slice3A_119[0, 0] : f32 from vector<1x1xf32>
    %slice3A_121 = vector.extract_strided_slice %dot_general3A_82 {offsets = [3, 3], sizes = [1, 1], strides = [1, 1]} : vector<4x4xf32> to vector<1x1xf32>
    %squeeze3A_122 = vector.extract %slice3A_121[0, 0] : f32 from vector<1x1xf32>
    %mul3A_123 = arith.mulf %squeeze3A_120, %squeeze3A_122 : f32
    %add3A_124 = arith.constant 9.99999993E-9 : f32
    %add3A_125 = arith.addf %mul3A_123, %add3A_124 : f32
    %div3A_126 = arith.divf %mul3A_118, %add3A_125 : f32
    %sub3A_127 = arith.constant 1.000000e+00 : f32
    %sub3A_128 = arith.subf %sub3A_127, %div3A_126 : f32
    %slice3A_129 = vector.extract_strided_slice %dot_general3A_82 {offsets = [1, 2], sizes = [1, 1], strides = [1, 1]} : vector<4x4xf32> to vector<1x1xf32>
    %squeeze3A_130 = vector.extract %slice3A_129[0, 0] : f32 from vector<1x1xf32>
    %slice3A_131 = vector.extract_strided_slice %dot_general3A_82 {offsets = [1, 2], sizes = [1, 1], strides = [1, 1]} : vector<4x4xf32> to vector<1x1xf32>
    %squeeze3A_132 = vector.extract %slice3A_131[0, 0] : f32 from vector<1x1xf32>
    %mul3A_133 = arith.mulf %squeeze3A_130, %squeeze3A_132 : f32
    %slice3A_134 = vector.extract_strided_slice %dot_general3A_82 {offsets = [1, 1], sizes = [1, 1], strides = [1, 1]} : vector<4x4xf32> to vector<1x1xf32>
    %squeeze3A_135 = vector.extract %slice3A_134[0, 0] : f32 from vector<1x1xf32>
    %slice3A_136 = vector.extract_strided_slice %dot_general3A_82 {offsets = [2, 2], sizes = [1, 1], strides = [1, 1]} : vector<4x4xf32> to vector<1x1xf32>
    %squeeze3A_137 = vector.extract %slice3A_136[0, 0] : f32 from vector<1x1xf32>
    %mul3A_138 = arith.mulf %squeeze3A_135, %squeeze3A_137 : f32
    %add3A_139 = arith.constant 9.99999993E-9 : f32
    %add3A_140 = arith.addf %mul3A_138, %add3A_139 : f32
    %div3A_141 = arith.divf %mul3A_133, %add3A_140 : f32
    %sub3A_142 = arith.constant 1.000000e+00 : f32
    %sub3A_143 = arith.subf %sub3A_142, %div3A_141 : f32
    %mul3A_144 = arith.mulf %sub3A_128, %sub3A_143 : f32
    %add3A_145 = arith.constant 9.99999993E-9 : f32
    %add3A_146 = arith.addf %mul3A_144, %add3A_145 : f32
    %div3A_147 = arith.divf %mul3A_113, %add3A_146 : f32
    %add3A_148 = arith.constant 9.99999993E-9 : f32
    %add3A_149 = arith.addf %div3A_147, %add3A_148 : f32
    %div3A_150 = arith.divf %div3A_79, %add3A_149 : f32
    %abs3A = math.absf %div3A_147 : f32
    %gt3A = arith.constant 9.99999993E-9 : f32
    %gt3A_151 = arith.cmpf ogt, %abs3A, %gt3A : f32
    %abs3A_152 = math.absf %div3A_79 : f32
    %gt3A_153 = arith.constant 9.99999993E-9 : f32
    %gt3A_154 = arith.cmpf ogt, %abs3A_152, %gt3A_153 : f32
    %and3A = arith.andi %gt3A_151, %gt3A_154 : i1
    %gt3A_155 = arith.constant 9.99999993E-9 : f32
    %gt3A_156 = arith.cmpf ogt, %div3A_150, %gt3A_155 : f32
    %and3A_157 = arith.andi %and3A, %gt3A_156 : i1
    %is_finite3A = tpu.weird %div3A_150 : f32 -> i1
    %is_finite3A_158 = arith.constant true
    %is_finite3A_159 = arith.xori %is_finite3A, %is_finite3A_158 : i1
    %and3A_160 = arith.andi %and3A_157, %is_finite3A_159 : i1
    %abs3A_161 = math.absf %div3A_150 : f32
    %log3A = math.log %abs3A_161 : f32
    %mul3A_162 = arith.constant 2.500000e-01 : f32
    %mul3A_163 = arith.mulf %mul3A_162, %log3A : f32
    %exp3A = math.exp %mul3A_163 : f32
    %jit3A = arith.constant 1.000000e+00 : f32
    %select_n3A = arith.select %and3A_160, %exp3A, %jit3A : f32
    %get3A_164 = arith.constant 0 : index
    %get3A_165 = arith.constant 0 : index
    %get3A_166 = arith.constant 0 : index
    %get3A_167 = vector.load %arg1[%get3A_164, %get3A_165, %get3A_166] : memref<1x1000x128xf32, #tpu.memory_space<vmem>>, vector<1x1000x128xf32>
    %get3A_168 = vector.shape_cast %get3A_167 : vector<1x1000x128xf32> to vector<1000x128xf32>
    %get3A_169 = arith.constant 0 : index
    %get3A_170 = arith.constant 0 : index
    %get3A_171 = arith.constant 0 : index
    %get3A_172 = vector.load %arg2[%get3A_169, %get3A_170, %get3A_171] : memref<1x1000x128xf32, #tpu.memory_space<vmem>>, vector<1x1000x128xf32>
    %get3A_173 = vector.shape_cast %get3A_172 : vector<1x1000x128xf32> to vector<1000x128xf32>
    %add3A_174 = arith.addf %get3A_168, %get3A_173 : vector<1000x128xf32>
    %mul3A_175 = arith.mulf %add3A_174, %add3A_174 : vector<1000x128xf32>
    %reduce_sum3A_176 = arith.constant dense<0.000000e+00> : vector<1000xf32>
    %reduce_sum3A_177 = vector.multi_reduction <add>, %mul3A_175, %reduce_sum3A_176 [1] : vector<1000x128xf32> to vector<1000xf32>
    %broadcast_in_dim3A_178 = vector.shape_cast %reduce_sum3A_177 : vector<1000xf32> to vector<1000x1xf32>
    %sqrt3A_179 = math.sqrt %broadcast_in_dim3A_178 : vector<1000x1xf32>
    %get3A_180 = arith.constant 0 : index
    %get3A_181 = arith.constant 0 : index
    %get3A_182 = vector.load %arg6[%get3A_180, %get3A_181] : memref<128x128xf32, #tpu.memory_space<vmem>>, vector<128x128xf32>
    %dot_general3A_183 = arith.constant dense<0.000000e+00> : vector<1000x128xf32>
    %dot_general3A_184 = tpu.matmul %add3A_174, %get3A_182, %dot_general3A_183 {dimension_numbers = #tpu.dot_dimension_numbers<[1], [0], [0], [1], [0, 0, 1, 1], [], []>, transpose_lhs_hint = false} : vector<1000x128xf32>, vector<128x128xf32>, vector<1000x128xf32> -> vector<1000x128xf32>
    %get3A_185 = arith.constant 0 : index
    %get3A_186 = arith.constant 0 : index
    %get3A_187 = vector.load %arg7[%get3A_185, %get3A_186] : memref<1x128xf32, #tpu.memory_space<vmem>>, vector<1x128xf32>
    %add3A_188 = vector.broadcast %get3A_187 : vector<1x128xf32> to vector<1000x128xf32>
    %add3A_189 = arith.addf %dot_general3A_184, %add3A_188 : vector<1000x128xf32>
    %mul3A_190 = arith.mulf %add3A_189, %add3A_189 : vector<1000x128xf32>
    %reduce_sum3A_191 = arith.constant dense<0.000000e+00> : vector<1000xf32>
    %reduce_sum3A_192 = vector.multi_reduction <add>, %mul3A_190, %reduce_sum3A_191 [1] : vector<1000x128xf32> to vector<1000xf32>
    %broadcast_in_dim3A_193 = vector.shape_cast %reduce_sum3A_192 : vector<1000xf32> to vector<1000x1xf32>
    %sqrt3A_194 = math.sqrt %broadcast_in_dim3A_193 : vector<1000x1xf32>
    %div3A_195 = arith.constant 9.99999993E-9 : f32
    %div3A_196 = arith.divf %div3A_195, %select_n3A : f32
    %mul3A_197 = vector.broadcast %div3A_196 : f32 to vector<1000x1xf32>
    %mul3A_198 = arith.mulf %mul3A_197, %sqrt3A_179 : vector<1000x1xf32>
    %add3A_199 = arith.addf %sqrt3A_194, %mul3A_198 : vector<1000x1xf32>
    %add3A_200 = arith.constant 1.000000e-30 : f32
    %add3A_201 = vector.broadcast %add3A_200 : f32 to vector<1000x1xf32>
    %add3A_202 = arith.addf %add3A_199, %add3A_201 : vector<1000x1xf32>
    %div3A_203 = vector.broadcast %add3A_202 : vector<1000x1xf32> to vector<1000x128xf32>
    %div3A_204 = arith.divf %add3A_189, %div3A_203 : vector<1000x128xf32>
    %max3A = arith.constant 0.000000e+00 : f32
    %max3A_205 = vector.broadcast %max3A : f32 to vector<1000x128xf32>
    %max3A_206 = arith.maximumf %div3A_204, %max3A_205 : vector<1000x128xf32>
    %swap3A = arith.constant 0 : index
    %swap3A_207 = arith.constant 0 : index
    %swap3A_208 = vector.load %arg8[%swap3A, %swap3A_207] : memref<1000x128xf32, #tpu.memory_space<vmem>>, vector<1000x128xf32>
    tpu.vector_store %arg8[%swap3A, %swap3A_207], %max3A_206 {strides = array<i32>} : memref<1000x128xf32, #tpu.memory_space<vmem>>, vector<1000x128xf32>,
    return
  }
  func.func @transform_0(%arg0: i32) -> (i32, i32, i32) {
    %c0_i32 = arith.constant 0 : i32
    %c0_i32_0 = arith.constant 0 : i32
    %c0_i32_1 = arith.constant 0 : i32
    return %c0_i32, %arg0, %c0_i32_0 : i32, i32, i32
  }
  func.func @transform_1(%arg0: i32) -> (i32, i32, i32) {
    %c1_i32 = arith.constant 1 : i32
    %c0_i32 = arith.constant 0 : i32
    %c0_i32_0 = arith.constant 0 : i32
    return %c1_i32, %arg0, %c0_i32 : i32, i32, i32
  }
  func.func @transform_2(%arg0: i32) -> (i32, i32, i32) {
    %c0_i32 = arith.constant 0 : i32
    %c0_i32_0 = arith.constant 0 : i32
    %c0_i32_1 = arith.constant 0 : i32
    %c0_i32_2 = arith.constant 0 : i32
    return %c0_i32, %c0_i32_0, %c0_i32_1 : i32, i32, i32
  }
  func.func @transform_3(%arg0: i32) -> (i32, i32, i32) {
    %c1_i32 = arith.constant 1 : i32
    %c0_i32 = arith.constant 0 : i32
    %c0_i32_0 = arith.constant 0 : i32
    %c0_i32_1 = arith.constant 0 : i32
    return %c1_i32, %c0_i32, %c0_i32_0 : i32, i32, i32
  }
  func.func @transform_4(%arg0: i32) -> (i32, i32) {
    %c0_i32 = arith.constant 0 : i32
    %c0_i32_0 = arith.constant 0 : i32
    %c0_i32_1 = arith.constant 0 : i32
    return %c0_i32, %c0_i32_0 : i32, i32
  }
  func.func @transform_5(%arg0: i32) -> (i32, i32) {
    %c0_i32 = arith.constant 0 : i32
    %c0_i32_0 = arith.constant 0 : i32
    %c0_i32_1 = arith.constant 0 : i32
    return %c0_i32, %c0_i32_0 : i32, i32
  }
  func.func @transform_6(%arg0: i32) -> (i32, i32) {
    %c0_i32 = arith.constant 0 : i32
    %c0_i32_0 = arith.constant 0 : i32
    %c0_i32_1 = arith.constant 0 : i32
    return %c0_i32, %c0_i32_0 : i32, i32
  }
  func.func @transform_7(%arg0: i32) -> (i32, i32) {
    %c0_i32 = arith.constant 0 : i32
    %c0_i32_0 = arith.constant 0 : i32
    return %arg0, %c0_i32 : i32, i32
  }
}

</mosaic_0001>

<sc_bundles>
// kernel: kernel.5.cloned.1.call-start
scs
__scs_entry_jumppad:
0x0: {  	(pc) =	sbr.rel $0x88, $3  }
0x1: {  	(tag) =	ssettag $0x0;
	lr =	simm.s32 $0x1  }
0x2: {  	[smem:$0x3F99] =	sst lr;
	_ =	strace $0xD0000000  }
0x3: {  	_ = 	snop  }
0x4: {  	_ = 	snop  }
0x5: {  	_ = 	snop  }
0x6: {  	_ = 	snop  }
0x7: {  	_ = 	snop  }
__scs_overlays_trampoline_lowered:
0x8: {  	[smem:$0x3FA8] =	sst s0  }
0x9: {  	[smem:$0x3FA9] =	sst s1  }
0xa: {  	[smem:$0x3FAA] =	sst s2  }
0xb: {  	[smem:$0x3FAB] =	sst s3  }
0xc: {  	[smem:$0x3FAC] =	sst s4  }
0xd: {  	[smem:$0x3FAD] =	sst s5  }
0xe: {  	[smem:$0x3FAE] =	sst s6  }
0xf: {  	[smem:$0x3FAF] =	sst s7  }
0x10: {  	[smem:$0x3FB0] =	sst s8  }
0x11: {  	[smem:$0x3FB1] =	sst s9;
	s0 =	simm.s32 @!p0 $0x0  }
0x12: {  	s1 =	sld [smem:$0x3F97];
	s0 =	simm.s32 @p0 $0x1  }
0x13: {  	[smem:$0x3FB2] =	sst s0;
	s0 =	simm.s32 @!p1 $0x0  }
0x14: {  	s2 =	sld [smem:$0x3F96];
	s0 =	simm.s32 @p1 $0x1  }
0x15: {  	[smem:$0x3FB3] =	sst s0;
	s0 =	simm.s32 @!p2 $0x0  }
0x16: {  	s3 =	sld [smem:$0x3FDB];
	s0 =	simm.s32 @p2 $0x1  }
0x17: {  	s4 =	simm.s32 $0x1BF5;
	[smem:$0x3FB5] =	sst s0  }
0x18: {  	s0 =	sld [smem:$0x3F98];
	_ =	swait.ge [sflag:s4], $0x0  }
0x19: {  	s7 =	sld [smem:$0x3F99]  }
0x1a: {  	s8 =	sadd.s32 $0xFFFFE003, lr  }
0x1b: {  	s9 =	sadd.s32 $0xFFFFFEF7, lr;
	s5 =	simm.s32 $0xFFFFFFFF;
	p2 =	slt.u32 s8, $0xFFFFF086  }
0x1c: {  	p1 =	slt.u32 s9, $0xF7A;
	s5 =	simm.s32 @!p2 $0x0  }
0x1d: {  	s5 =	simm.s32 @p1 $0x1;
	p0 =	seq.s32 s7, s2  }
0x1e: {  	s7 =	smul.u32 @!p0 $0xF7A, s2;
	p2 =	seq.s32 @!p0 s5, $0x0  }
0x1f: {  	s9 =	smul.u32 $0xF7A, s1;
	s8 =	simm.s32 @!p0 $0x1BF5;
	p2 =	por !p2, p0  }
0x20: {  	[sflag:s8] =	ssyncset.s32 @!p0 $0xFFFFF086;
	s6 =	sadd.s32 @!p0 s3, s7;
	s7 =	simm.s32 @!p0 $0x108  }
0x21: {  	s3 =	sadd.s32 s3, s9;
	s6 =	sadd.s32 @!p0 $0x88, s6;
	s7 =	simm.s32 @p2 $0x1082  }
0x22: {  	[simem:s7], [sflag:s8] =	dma.local @!p0 [hbm:s6], $0xF7A  }
0x23: {  	s9 =	sor.u32 $0xD0000000, s2;
	s6 =	simm.s32 $0x108;
	_ =	swait.ge @!p0 [sflag:s8], $0x0  }
0x24: {  	s3 =	sadd.s32 $0x88, s3;
	s6 =	simm.s32 @!p1 $0x1082;
	[sflag:s4] =	ssyncset.s32 $0xFFFFF086  }
0x25: {  	[simem:s6], [sflag:s4] =	dma.local [hbm:s3], $0xF7A  }
0x26: {  	[smem:$0x3F99] =	sst s1;
	(tag) =	ssettag s2;
	_ =	strace s9  }
0x27: {  	s1 =	sld [smem:$0x3FA9]  }
0x28: {  	s2 =	sld [smem:$0x3FAA]  }
0x29: {  	s4 =	sld [smem:$0x3FAC]  }
0x2a: {  	p0 =	seq.s32 s5, $0x0;
	s5 =	sld [smem:$0x3FAD]  }
0x2b: {  	s6 =	sld [smem:$0x3FAE]  }
0x2c: {  	s7 =	sld [smem:$0x3FAF]  }
0x2d: {  	s3 =	simm.s32 $0x108;
	s8 =	sld [smem:$0x3FB0]  }
0x2e: {  	s3 =	simm.s32 @!p0 $0x1082;
	s9 =	sld [smem:$0x3FB1]  }
0x2f: {  	lr =	sadd.s32 s0, s3;
	s0 =	sld [smem:$0x3FA8]  }
0x30: {  	s3 =	sld [smem:$0x3FAB]  }
0x31: {  	[smem:$0x3FB4] =	sst s10  }
0x32: {  	s10 =	sld [smem:$0x3FB2];
	_ =	sdelay $0x3  }
0x33: {  	p0 =	seq.s32 s10, $0x1;
	s10 =	sld [smem:$0x3FB4];
	_ =	sdelay $0x3  }
0x34: {  	[smem:$0x3FB4] =	sst s10  }
0x35: {  	s10 =	sld [smem:$0x3FB3];
	_ =	sdelay $0x3  }
0x36: {  	p1 =	seq.s32 s10, $0x1;
	s10 =	sld [smem:$0x3FB4];
	_ =	sdelay $0x3  }
0x37: {  	[smem:$0x3FB4] =	sst s10  }
0x38: {  	s10 =	sld [smem:$0x3FB5]  }
0x39: {  	_ = 	snop;
	(pc) =	sbr.ind lr, $3  }
0x3a: {  	_ = 	snop  }
0x3b: {  	_ = 	snop  }
0x3c: {  	p2 =	seq.s32 s10, $0x1;
	s10 =	sld [smem:$0x3FB4]  }
0x3d: {  	_ =	shalt  }
0x3e: {  	_ =	shalt  }
0x3f: {  	_ =	shalt  }
0x40: {  	_ =	shalt  }
0x41: {  	_ =	shalt  }
0x42: {  	_ =	shalt  }
0x43: {  	_ =	shalt  }
0x44: {  	_ =	shalt  }
0x45: {  	_ =	shalt  }
0x46: {  	_ =	shalt  }
0x47: {  	_ =	shalt  }
0x48: {  	_ =	shalt  }
0x49: {  	_ =	shalt  }
0x4a: {  	_ =	shalt  }
0x4b: {  	_ =	shalt  }
0x4c: {  	_ =	shalt  }
0x4d: {  	_ =	shalt  }
0x4e: {  	_ =	shalt  }
0x4f: {  	_ =	shalt  }
0x50: {  	_ =	shalt  }
0x51: {  	_ =	shalt  }
0x52: {  	_ =	shalt  }
0x53: {  	_ =	shalt  }
0x54: {  	_ =	shalt  }
0x55: {  	_ =	shalt  }
0x56: {  	_ =	shalt  }
0x57: {  	_ =	shalt  }
0x58: {  	_ =	shalt  }
0x59: {  	_ =	shalt  }
0x5a: {  	_ =	shalt  }
0x5b: {  	_ =	shalt  }
0x5c: {  	_ =	shalt  }
0x5d: {  	_ =	shalt  }
0x5e: {  	_ =	shalt  }
0x5f: {  	_ =	shalt  }
0x60: {  	_ =	shalt  }
0x61: {  	_ =	shalt  }
0x62: {  	_ =	shalt  }
0x63: {  	_ =	shalt  }
0x64: {  	_ =	shalt  }
0x65: {  	_ =	shalt  }
0x66: {  	_ =	shalt  }
0x67: {  	_ =	shalt  }
0x68: {  	_ =	shalt  }
0x69: {  	_ =	shalt  }
0x6a: {  	_ =	shalt  }
0x6b: {  	_ =	shalt  }
0x6c: {  	_ =	shalt  }
0x6d: {  	_ =	shalt  }
0x6e: {  	_ =	shalt  }
0x6f: {  	_ =	shalt  }
0x70: {  	_ =	shalt  }
0x71: {  	_ =	shalt  }
0x72: {  	_ =	shalt  }
0x73: {  	_ =	shalt  }
0x74: {  	_ =	shalt  }
0x75: {  	_ =	shalt  }
0x76: {  	_ =	shalt  }
0x77: {  	_ =	shalt  }
0x78: {  	_ =	shalt  }
0x79: {  	_ =	shalt  }
0x7a: {  	_ =	shalt  }
0x7b: {  	_ =	shalt  }
0x7c: {  	_ =	shalt  }
0x7d: {  	_ =	shalt  }
0x7e: {  	_ =	shalt  }
0x7f: {  	_ =	shalt  }
0x80: {  	_ =	shalt  }
0x81: {  	_ =	shalt  }
0x82: {  	_ =	shalt  }
0x83: {  	_ =	shalt  }
0x84: {  	_ =	shalt  }
0x85: {  	_ =	shalt  }
0x86: {  	_ =	shalt  }
0x87: {  	_ =	shalt  }
.Lfunc_end0:
.L_simem_size_0:
called_computation_lowered:
.L_overlay_start_0:
0x88: {  	s2 =	sld [smem:$0x3FD9]  }
0x89: {  	s3 =	sld [smem:$0x3FFE];
	_ =	sdelay $0x1  }
0x8a: {  	s1 =	srdreg.scid  }
0x8b: {  	s0 =	sand.u32 $0x1, s1  }
0x8c: {  	s17 =	sshll.u32 s0, $0xA;
	s2 =	sadd.s32 s3, s2  }
0x8d: {  	s2 =	sadd.s32 s2, s17  }
0x8e: {  	[smem:$0x3FC0] =	sst s2  }
0x8f: {  	_ = 	snop  }
0x90: {  	s2 =	sld [smem:$0x3FD0];
	(tm) =	ssettm $0x1  }
0x91: {  	s18 =	sld [smem:$0x3FFB];
	_ =	sdelay $0x3  }
0x92: {  	_ =	strace s18  }
0x93: {  	s3 =	sld [smem:$0x3FFC];
	_ =	sdelay $0x3  }
0x94: {  	_ =	strace s3  }
0x95: {  	s3 =	sld [smem:$0x3FFD];
	_ =	sdelay $0x3  }
0x96: {  	_ =	strace s3  }
0x97: {  	_ =	strace $0x8FFFFFFF  }
0x98: {  	s19 =	sld [smem:$0x3FDB];
	_ =	sdelay $0x1  }
0x99: {  	s4 =	simm.s32 $_scs_section_size  }
0x9a: {  	s5 =	simm.s32 $_size__tile_overlayer_lowered;
	s6 =	simm.s32 $_tile_overlayer_lowered  }
0x9b: {  	s22 =	simm.s32 $0x1BFF;
	s21 =	sshll.u32 s6, $0x1;
	s3 =	sadd.s32 s4, s19  }
0x9c: {  	s7 =	simm.s32 $0x0;
	s20 =	sshll.u32 s5, $0x1;
	s5 =	sadd.s32 s21, s3  }
0x9d: {  	[timem:s7], [sflag:s22] =	dma.local [hbm:s5], s20  }
0x9e: {  	_ =	swait.ge [sflag:s22], s20  }
0x9f: {  	s4 =	ssub.s32 $0x0, s20;
	[sflag:s22] =	ssyncset.done $0x0  }
0xa0: {  	[sflag:s22] =	ssyncadd.s32 s4;
	_ =	sdelay $0x1  }
0xa1: {  	s23 =	simm.s32 $0x1B8B  }
0xa2: {  	_ =	swait.ge [sflag:s23], $0x1  }
0xa3: {  	[sflag:s23] =	ssyncset.done $0x0  }
0xa4: {  	s25 =	simm.s32 $0x1B8E;
	s24 =	sld [smem:$0x3FFE];
	[sflag:s23] =	ssyncadd.s32 $0xFFFFFFFF  }
0xa5: {  	s26 =	simm.s32 $execute0_lowered;
	[smem:$0x3FD2] =	sst s25  }
0xa6: {  	s5 =	sshll.u32 s26, $0x1;
	_ =	strace $0x80000046;
	[dreg:$0x1] =	wrdreg $0xFFFFFFFF  }
0xa7: {  	s28 =	simm.s32 $_size_execute0_lowered;
	s3 =	sadd.s32 s3, s5;
	[dreg:$0x0] =	wrdreg $0x0  }
0xa8: {  	s5 =	sshll.u32 s28, $0x1;
	[dreg:$0x2] =	wrdreg s3  }
0xa9: {  	[dreg:$0x3] =	wrdreg s5  }
0xaa: {  	[dreg:$0x4] =	wrdreg $0xC0  }
0xab: {  	_ =	task [dreg:s7], $0x5FFFF  }
0xac: {  	[dreg:$0x1] =	wrdreg $0xFFFFFFFF  }
0xad: {  	[dreg:$0x0] =	wrdreg $0x60  }
0xae: {  	[dreg:$0x2] =	wrdreg s2  }
0xaf: {  	[dreg:$0x3] =	wrdreg s24  }
0xb0: {  	[dreg:$0x4] =	wrdreg $0x0  }
0xb1: {  	[dreg:$0x5] =	wrdreg $0x9  }
0xb2: {  	_ =	task.clear_ibuf [dreg:s7], $0x6FFFF;
	_ =	strace $0x90000046  }
0xb3: {  	s29 =	simm.s32 $0x9;
	_ =	strace $0x80000048  }
0xb4: {  	_ =	swait.ge [sflag:s29], $0x1  }
0xb5: {  	[sflag:s29] =	ssyncadd.s32 $0xFFFFFFFF  }
0xb6: {  	_ =	strace $0x90000048  }
0xb7: {  	_ =	sfence  }
0xb8: {  	s30 =	sld [smem:$0x0];
	_ =	sdelay $0x2  }
0xb9: {  	s31 =	sshll.u32 s1, $0xD;
	s1 =	sshrl.u32 s1, $0x2  }
0xba: {  	s3 =	sand.u32 $0x4000, s31;
	s1 =	sadd.s32 s1, s30  }
0xbb: {  	s0 =	sor.u32 s3, s0;
	s1 =	sshll.u32 s1, $0x11  }
0xbc: {  	s0 =	sor.u32 s1, s0  }
0xbd: {  	s0 =	sadd.s32 $0x8F2B, s0  }
0xbe: {  	[sflag:s0] =	ssyncadd.remote.s32 $0x1  }
0xbf: {  	_ =	sfence.sel $0xFFFF  }
0xc0: {  	[dreg:$0x0] =	wrdreg $0xFFFFFFFF;
	(pc) =	sbr.abs _section_cstart, $3  }
0xc1: {  	[dreg:$0x1] =	wrdreg $0xFFFFFFFF  }
0xc2: {  	_ =	task.clear_ibuf [dreg:s7], $0x2FFFF;
	_ =	strace $0x9FFFFFFF  }
0xc3: {  	(tm) =	ssettm $0x7FFFFFFF  }
tec
execute0_lowered:
.L_overlay_start_1:
0x0: {  	(tag) =	ssettag $0x1  }
0x1: {  	s1 =	rddreg [dreg:$0x0]  }
0x2: {  	s0 =	srdreg.scid;
	s5 =	rddreg [dreg:$0x1]  }
0x3: {  	s4 =	stileid.u32;
	s3 =	rddreg [dreg:$0x2];
	s7 =	simm.s32 $0x0  }
0x4: {  	s28 =	simm.s32 $0x1;
	s29 =	simm.s32 $0x13D00;
	s26 =	smul.u32 $0x13C00, s4  }
0x5: {  	s30 =	simm.s32 $0x2;
	s31 =	simm.s32 $0x13D80;
	s8 =	smul.u32 $0x4F000, s4  }
0x6: {  	s0 =	sand.u32 $0x1, s0;
	s2 =	sshll.u32 s4, $0x1;
	s14 =	smul.u32 $0xA00, s4  }
0x7: {  	[smem:$0x7FF] =	sst s7;
	s9 =	sadd.s32 $0x1200, s5;
	s17 =	smul.u32 $0x14, s4  }
0x8: {  	s7 =	simm.s32 $0x4;
	s2 =	sor.u32 s0, s2;
	s6 =	smul.u32 $0x13C000, s0  }
0x9: {  	_ =	strace $0x80000047;
	s11 =	ssub.s32 $0x2, s0;
	s2 =	smul.u32 $0x500, s2  }
0xa: {  	s8 =	sshrl.u32 s8, $0x2;
	s12 =	sshrl.u32 s11, $0x1;
	s21 =	sadd.s32 s14, s9  }
0xb: {  	s14 =	simm.s32 $0x14300;
	s6 =	sadd.s32 s26, s6;
	s16 =	sadd.s32 s8, s3  }
0xc: {  	s10 =	sadd.s32 s2, s5;
	s13 =	sadd.s32 $0x3C00, s16;
	[dreg:$0x4] =	wrdreg s16  }
0xd: {  	s6 =	sshrl.u32 s6, $0x3;
	s8 =	sadd.s32 $0x7800, s16;
	[dreg:$0x5] =	wrdreg s13  }
0xe: {  	s15 =	sadd.s32 $0xB400, s16;
	s18 =	sadd.s32 $0xF000, s16;
	[dreg:$0x6] =	wrdreg s8  }
0xf: {  	s19 =	sadd.s32 $0x12C00, s16;
	s2 =	sadd.s32 s9, s2;
	[dreg:$0x7] =	wrdreg s15  }
0x10: {  	s5 =	sadd.s32 s6, s5;
	s6 =	ssub.s32 s11, s12;
	[dreg:$0x8] =	wrdreg s18  }
0x11: {  	[dreg:$0x9] =	wrdreg s19;
	s11 =	smul.u32 $0xA, s0;
	s20 =	sadd.s32 $0xB200, s10  }
0x12: {  	s0 =	smul.u32 $0x500, s0;
	[dreg:$0xb] =	wrdreg s2;
	s2 =	sadd.s32 $0x80, s2  }
0x13: {  	s18 =	simm.s32 $0x16C00;
	s19 =	simm.s32 $0x5;
	s8 =	simm.s32 $0x14080  }
0x14: {  	s10 =	simm.s32 $0x14180;
	s13 =	simm.s32 $0x14280;
	[dreg:$0xa] =	wrdreg s20  }
0x15: {  	s15 =	simm.s32 $0x14380;
	[dreg:$0xc] =	wrdreg s2;
	s23 =	sadd.s32 $0x15200, s5  }
0x16: {  	s25 =	smax.u32 s6, $0x1;
	s2 =	simm.s32 $0x13E00;
	s20 =	simm.s32 $0x13E80  }
0x17: {  	s6 =	simm.s32 $0x13F80;
	s5 =	simm.s32 $0x0;
	[dreg:$0xd] =	wrdreg s23  }
0x18: {  	s22 =	sadd.s32 s11, s17;
	s0 =	sadd.s32 s0, s21;
	[dreg:$0xe] =	wrdreg s25  }
.Ltmp0:
0x19: {  	s21 =	simm.s32 $0x13C00;
	s23 =	simm.s32 $0x14000;
	(pc) =	sbr.rel .LBB2_1-.Ltmp0, $4  }
0x1a: {  	s11 =	simm.s32 $0x14200;
	s24 =	sshll.u32 s22, $0x7;
	s0 =	sadd.s32 $0x180, s0  }
0x1b: {  	s22 =	simm.s32 $0x3;
	[dreg:$0xf] =	wrdreg s0;
	s26 =	sadd.s32 s9, s24  }
0x1c: {  	s24 =	simm.s32 $0x7D;
	s9 =	simm.s32 $0x14100;
	s0 =	sadd.s32 $0x100, s26  }
0x1d: {  	v0 =	vimm.f32 $0.0e+00;
	s26 =	simm.s32 $0x1AC00;
	[dreg:$0x10] =	wrdreg s0;
	s0 =	simm.s32 $0x13F00  }
.LBB2_6:
0x1e: {  	[tilespmem:s18], [sflag:$0x1] =	stream.indirect.gather [hbm4b:s1+s24], $0x80, s14, s24, $0xb8;
	[tilespmem:$0x1EC00] =	vst v63  }
0x1f: {  	_ =	swait.ge [sflag:s30], $0x3E80  }
0x20: {  	[sflag:s30] =	ssyncset.done $0x0  }
0x21: {  	s4 =	sadd.s32 $0x14B80, s12;
	[sflag:s30] =	ssyncadd.s32 $0xFFFFC180  }
0x22: {  	[spmem:s3] =	stream.indirect.scatter.add.f32 [tilespmem:s26], [sflag:$0x5], $0x80, s4, s24, $0xb8;
	[tilespmem:$0x1EC00] =	vst v63  }
0x23: {  	_ =	swait.ge [sflag:s19], $0x3E80  }
0x24: {  	[sflag:s19] =	ssyncset.done $0x0  }
0x25: {  	[sflag:s19] =	ssyncadd.s32 $0xFFFFC180  }
0x26: {  	[tilespmem:s26], [sflag:$0x2] =	stream.indirect.gather [hbm4b:s1+s24], $0x80, s15, s24, $0xb8;
	[tilespmem:$0x1EC00] =	vst v63  }
0x27: {  	_ =	swait.ge [sflag:s28], $0x3E80  }
0x28: {  	[sflag:s28] =	ssyncset.done $0x0  }
0x29: {  	[sflag:s28] =	ssyncadd.s32 $0xFFFFC180  }
0x2a: {  	_ =	swait.ge [sflag:s30], $0x3E80  }
0x2b: {  	[sflag:s30] =	ssyncset.done $0x0  }
0x2c: {  	[sflag:s30] =	ssyncadd.s32 $0xFFFFC180  }
0x2d: {  	s17 =	stileid.u32;
	[bflag:$0x0] =	sbarrier.arrive $0xFFFF  }
0x2e: {  	s4 =	sshll.u32 s17, $0x6;
	s16 =	rddreg [dreg:$0x4]  }
0x2f: {  	s4 =	sor.u32 $0x1C05, s4;
	s25 =	rddreg [dreg:$0xd];
	s5 =	sshrl.u32 s16, $0x3  }
0x30: {  	[hbm:s25], [sflag:s4] =	dma.local [spmem:s5], $0x2780  }
0x31: {  	_ =	swait.ge [sflag:s19], $0x2780  }
0x32: {  	s17 =	rddreg [dreg:$0x11]  }
0x33: {  	s25 =	rddreg [dreg:$0xe];
	s5 =	sadd.s32 $0x1, s17  }
0x34: {  	p0 =	sne.s32 s5, s25  }
.Ltmp1:
0x35: {  	_ = 	snop;
	(pc) =	sbr.rel @!p0 .LBB2_7-.Ltmp1, $3  }
0x36: {  	_ =	sdelay $0x1  }
0x37: {  	[sflag:s19] =	ssyncset.done $0x0  }
0x38: {  	[sflag:s19] =	ssyncadd.s32 $0xFFFFD880  }
.LBB2_1:
0x39: {  	[dreg:$0x11] =	wrdreg s5;
	s5 =	simm.s32 $0x0;
	s12 =	simm.s32 $0x200  }
.LBB2_2:
0x3a: {  	p0 =	sne.s32 s12, $0xF800;
	[tilespmem:s5+$0x16C70] =	vst v0  }
0x3b: {  	[tilespmem:s5+$0x16C00] =	vst v0  }
0x3c: {  	[tilespmem:s5+$0x16C10] =	vst v0  }
.Ltmp2:
0x3d: {  	[tilespmem:s5+$0x16C20] =	vst v0;
	(pc) =	sbr.rel @p0 .LBB2_2-.Ltmp2, $4  }
0x3e: {  	[tilespmem:s5+$0x16C30] =	vst v0  }
0x3f: {  	[tilespmem:s5+$0x16C40] =	vst v0  }
0x40: {  	[tilespmem:s5+$0x16C50] =	vst v0  }
0x41: {  	[tilespmem:s5+$0x16C60] =	vst v0;
	s5 =	sshra.s32 s12, $0x2;
	s12 =	sadd.s32 $0x200, s12  }
0x42: {  	[tilespmem:s5+$0x16C70] =	vst v0  }
0x43: {  	[tilespmem:s5+$0x16C00] =	vst v0  }
0x44: {  	[tilespmem:s5+$0x16C10] =	vst v0  }
0x45: {  	[tilespmem:s5+$0x16C20] =	vst v0  }
0x46: {  	[tilespmem:s5+$0x16C30] =	vst v0  }
0x47: {  	[tilespmem:s5+$0x16C40] =	vst v0  }
0x48: {  	[tilespmem:s5+$0x16C50] =	vst v0  }
0x49: {  	[tilespmem:s5+$0x16C60] =	vst v0  }
0x4a: {  	[spmem:s16] =	stream.linear.scatter [tilespmem:s18], [sflag:$0x5], $0x3C00, $0x38;
	[tilespmem:$0x1EC00] =	vst v63  }
0x4b: {  	_ =	swait.ge [sflag:s19], $0x3C00  }
0x4c: {  	[sflag:s19] =	ssyncset.done $0x0  }
0x4d: {  	s4 =	rddreg [dreg:$0x5];
	[sflag:s19] =	ssyncadd.s32 $0xFFFFC400  }
0x4e: {  	[spmem:s4] =	stream.linear.scatter [tilespmem:s18], [sflag:$0x5], $0x3C00, $0x38;
	[tilespmem:$0x1EC00] =	vst v63  }
0x4f: {  	_ =	swait.ge [sflag:s19], $0x3C00  }
0x50: {  	[sflag:s19] =	ssyncset.done $0x0  }
0x51: {  	s25 =	rddreg [dreg:$0x6];
	[sflag:s19] =	ssyncadd.s32 $0xFFFFC400  }
0x52: {  	[spmem:s25] =	stream.linear.scatter [tilespmem:s18], [sflag:$0x5], $0x3C00, $0x38;
	[tilespmem:$0x1EC00] =	vst v63  }
0x53: {  	_ =	swait.ge [sflag:s19], $0x3C00  }
0x54: {  	[sflag:s19] =	ssyncset.done $0x0  }
0x55: {  	s5 =	rddreg [dreg:$0x7];
	[sflag:s19] =	ssyncadd.s32 $0xFFFFC400  }
0x56: {  	[spmem:s5] =	stream.linear.scatter [tilespmem:s18], [sflag:$0x5], $0x3C00, $0x38;
	[tilespmem:$0x1EC00] =	vst v63  }
0x57: {  	_ =	swait.ge [sflag:s19], $0x3C00  }
0x58: {  	[sflag:s19] =	ssyncset.done $0x0  }
0x59: {  	s12 =	rddreg [dreg:$0x8];
	[sflag:s19] =	ssyncadd.s32 $0xFFFFC400  }
0x5a: {  	[spmem:s12] =	stream.linear.scatter [tilespmem:s18], [sflag:$0x5], $0x3C00, $0x38;
	[tilespmem:$0x1EC00] =	vst v63  }
0x5b: {  	_ =	swait.ge [sflag:s19], $0x3C00  }
0x5c: {  	[sflag:s19] =	ssyncset.done $0x0  }
0x5d: {  	s16 =	rddreg [dreg:$0x9];
	[sflag:s19] =	ssyncadd.s32 $0xFFFFC400  }
0x5e: {  	[spmem:s16] =	stream.linear.scatter [tilespmem:s18], [sflag:$0x5], $0x1000, $0x38;
	[tilespmem:$0x1EC00] =	vst v63  }
0x5f: {  	_ =	swait.ge [sflag:s19], $0x1000  }
0x60: {  	[sflag:s19] =	ssyncset.done $0x0  }
0x61: {  	[sflag:s19] =	ssyncadd.s32 $0xFFFFF000  }
0x62: {  	[bflag:$0x0] =	sbarrier.arrive $0xFFFF  }
0x63: {  	s25 =	simm.s32 $0x14400;
	s16 =	simm.s32 $0x0;
	s17 =	rddreg [dreg:$0xa]  }
0x64: {  	[tilespmem:s25], [sflag:$0x5] =	stream.linear.gather [hbm4b:s17+s16], $0x2800, $0x38;
	[tilespmem:$0x1EC00] =	vst v63  }
0x65: {  	_ =	swait.ge [sflag:s19], $0x2800  }
0x66: {  	[sflag:s19] =	ssyncset.done $0x0  }
0x67: {  	s12 =	rddreg [dreg:$0xb];
	[sflag:s19] =	ssyncadd.s32 $0xFFFFD800  }
0x68: {  	[tilespmem:s21], [sflag:$0x3] =	stream.linear.gather [hbm4b:s12+s16], $0x400, $0x38;
	[tilespmem:$0x1EC00] =	vst v63  }
0x69: {  	_ =	swait.ge [sflag:s22], $0x400  }
0x6a: {  	[sflag:s22] =	ssyncset.done $0x0  }
0x6b: {  	s17 =	rddreg [dreg:$0xc];
	[sflag:s22] =	ssyncadd.s32 $0xFFFFFC00  }
0x6c: {  	[tilespmem:s23], [sflag:$0x4] =	stream.linear.gather [hbm4b:s17+s16], $0x400, $0x38;
	[tilespmem:$0x1EC00] =	vst v63  }
0x6d: {  	s5 =	rddreg [dreg:$0xf]  }
0x6e: {  	[tilespmem:s18], [sflag:$0x1] =	stream.indirect.gather [hbm4b:s1+s24], $0x80, s21, s24, $0xb8;
	[tilespmem:$0x1EC00] =	vst v63  }
0x6f: {  	s25 =	simm.s32 $0x13C80;
	s17 =	rddreg [dreg:$0x10]  }
0x70: {  	[tilespmem:s26], [sflag:$0x2] =	stream.indirect.gather [hbm4b:s1+s24], $0x80, s25, s24, $0xb8;
	[tilespmem:$0x1EC00] =	vst v63  }
.LBB2_4:
0x71: {  	_ =	swait.ge [sflag:s28], $0x3E80  }
0x72: {  	s12 =	sshra.s32 s16, $0x2;
	[sflag:s28] =	ssyncset.done $0x0  }
0x73: {  	s4 =	sadd.s32 $0x14400, s12;
	[sflag:s28] =	ssyncadd.s32 $0xFFFFC180  }
0x74: {  	[spmem:s3] =	stream.indirect.scatter.add.f32 [tilespmem:s18], [sflag:$0x5], $0x80, s4, s24, $0xb8;
	[tilespmem:$0x1EC00] =	vst v63  }
0x75: {  	_ =	swait.ge [sflag:s19], $0x3E80  }
0x76: {  	[sflag:s19] =	ssyncset.done $0x0  }
0x77: {  	[sflag:s19] =	ssyncadd.s32 $0xFFFFC180  }
0x78: {  	[tilespmem:s18], [sflag:$0x1] =	stream.indirect.gather [hbm4b:s1+s24], $0x80, s29, s24, $0xb8;
	[tilespmem:$0x1EC00] =	vst v63  }
0x79: {  	_ =	swait.ge [sflag:s30], $0x3E80  }
0x7a: {  	[sflag:s30] =	ssyncset.done $0x0  }
0x7b: {  	s25 =	sadd.s32 $0x14480, s12;
	[sflag:s30] =	ssyncadd.s32 $0xFFFFC180  }
0x7c: {  	[spmem:s3] =	stream.indirect.scatter.add.f32 [tilespmem:s26], [sflag:$0x5], $0x80, s25, s24, $0xb8;
	[tilespmem:$0x1EC00] =	vst v63  }
0x7d: {  	_ =	swait.ge [sflag:s19], $0x3E80  }
0x7e: {  	[sflag:s19] =	ssyncset.done $0x0  }
0x7f: {  	[sflag:s19] =	ssyncadd.s32 $0xFFFFC180  }
0x80: {  	[tilespmem:s26], [sflag:$0x2] =	stream.indirect.gather [hbm4b:s1+s24], $0x80, s31, s24, $0xb8;
	[tilespmem:$0x1EC00] =	vst v63  }
0x81: {  	_ =	swait.ge [sflag:s28], $0x3E80  }
0x82: {  	[sflag:s28] =	ssyncset.done $0x0  }
0x83: {  	s25 =	sadd.s32 $0x14500, s12;
	[sflag:s28] =	ssyncadd.s32 $0xFFFFC180  }
0x84: {  	[spmem:s3] =	stream.indirect.scatter.add.f32 [tilespmem:s18], [sflag:$0x5], $0x80, s25, s24, $0xb8;
	[tilespmem:$0x1EC00] =	vst v63  }
0x85: {  	_ =	swait.ge [sflag:s19], $0x3E80  }
0x86: {  	[sflag:s19] =	ssyncset.done $0x0  }
0x87: {  	[sflag:s19] =	ssyncadd.s32 $0xFFFFC180  }
0x88: {  	[tilespmem:s18], [sflag:$0x1] =	stream.indirect.gather [hbm4b:s1+s24], $0x80, s2, s24, $0xb8;
	[tilespmem:$0x1EC00] =	vst v63  }
0x89: {  	_ =	swait.ge [sflag:s30], $0x3E80  }
0x8a: {  	[sflag:s30] =	ssyncset.done $0x0  }
0x8b: {  	s25 =	sadd.s32 $0x14580, s12;
	[sflag:s30] =	ssyncadd.s32 $0xFFFFC180  }
0x8c: {  	[spmem:s3] =	stream.indirect.scatter.add.f32 [tilespmem:s26], [sflag:$0x5], $0x80, s25, s24, $0xb8;
	[tilespmem:$0x1EC00] =	vst v63  }
0x8d: {  	_ =	swait.ge [sflag:s19], $0x3E80  }
0x8e: {  	[sflag:s19] =	ssyncset.done $0x0  }
0x8f: {  	[sflag:s19] =	ssyncadd.s32 $0xFFFFC180  }
0x90: {  	[tilespmem:s26], [sflag:$0x2] =	stream.indirect.gather [hbm4b:s1+s24], $0x80, s20, s24, $0xb8;
	[tilespmem:$0x1EC00] =	vst v63  }
0x91: {  	_ =	swait.ge [sflag:s28], $0x3E80  }
0x92: {  	[sflag:s28] =	ssyncset.done $0x0  }
0x93: {  	s25 =	sadd.s32 $0x14600, s12;
	[sflag:s28] =	ssyncadd.s32 $0xFFFFC180  }
0x94: {  	[spmem:s3] =	stream.indirect.scatter.add.f32 [tilespmem:s18], [sflag:$0x5], $0x80, s25, s24, $0xb8;
	[tilespmem:$0x1EC00] =	vst v63  }
0x95: {  	_ =	swait.ge [sflag:s19], $0x3E80  }
0x96: {  	[sflag:s19] =	ssyncset.done $0x0  }
0x97: {  	[sflag:s19] =	ssyncadd.s32 $0xFFFFC180  }
0x98: {  	[tilespmem:s18], [sflag:$0x1] =	stream.indirect.gather [hbm4b:s1+s24], $0x80, s0, s24, $0xb8;
	[tilespmem:$0x1EC00] =	vst v63  }
0x99: {  	_ =	swait.ge [sflag:s30], $0x3E80  }
0x9a: {  	[sflag:s30] =	ssyncset.done $0x0  }
0x9b: {  	s25 =	sadd.s32 $0x14680, s12;
	[sflag:s30] =	ssyncadd.s32 $0xFFFFC180  }
0x9c: {  	[spmem:s3] =	stream.indirect.scatter.add.f32 [tilespmem:s26], [sflag:$0x5], $0x80, s25, s24, $0xb8;
	[tilespmem:$0x1EC00] =	vst v63  }
0x9d: {  	_ =	swait.ge [sflag:s19], $0x3E80  }
0x9e: {  	[sflag:s19] =	ssyncset.done $0x0  }
0x9f: {  	[sflag:s19] =	ssyncadd.s32 $0xFFFFC180  }
0xa0: {  	[tilespmem:s26], [sflag:$0x2] =	stream.indirect.gather [hbm4b:s1+s24], $0x80, s6, s24, $0xb8;
	[tilespmem:$0x1EC00] =	vst v63  }
0xa1: {  	_ =	swait.ge [sflag:s28], $0x3E80  }
0xa2: {  	[sflag:s28] =	ssyncset.done $0x0  }
0xa3: {  	s25 =	sadd.s32 $0x14700, s12;
	[sflag:s28] =	ssyncadd.s32 $0xFFFFC180  }
0xa4: {  	[spmem:s3] =	stream.indirect.scatter.add.f32 [tilespmem:s18], [sflag:$0x5], $0x80, s25, s24, $0xb8;
	[tilespmem:$0x1EC00] =	vst v63  }
0xa5: {  	_ =	swait.ge [sflag:s19], $0x3E80  }
0xa6: {  	[sflag:s19] =	ssyncset.done $0x0  }
0xa7: {  	[sflag:s19] =	ssyncadd.s32 $0xFFFFC180  }
0xa8: {  	_ =	swait.ge [sflag:s7], $0x400  }
0xa9: {  	[sflag:s7] =	ssyncset.done $0x0  }
0xaa: {  	[sflag:s7] =	ssyncadd.s32 $0xFFFFFC00  }
0xab: {  	[tilespmem:s18], [sflag:$0x1] =	stream.indirect.gather [hbm4b:s1+s24], $0x80, s23, s24, $0xb8;
	[tilespmem:$0x1EC00] =	vst v63  }
0xac: {  	_ =	swait.ge [sflag:s30], $0x3E80  }
0xad: {  	[sflag:s30] =	ssyncset.done $0x0  }
0xae: {  	s25 =	sadd.s32 $0x14780, s12;
	[sflag:s30] =	ssyncadd.s32 $0xFFFFC180  }
0xaf: {  	[spmem:s3] =	stream.indirect.scatter.add.f32 [tilespmem:s26], [sflag:$0x5], $0x80, s25, s24, $0xb8;
	[tilespmem:$0x1EC00] =	vst v63  }
0xb0: {  	_ =	swait.ge [sflag:s19], $0x3E80  }
0xb1: {  	p0 =	seq.s32 s16, $0x8000;
	[sflag:s19] =	ssyncset.done $0x0  }
0xb2: {  	s4 =	simm.s32 @!p0 $0x0;
	s25 =	simm.s32 @!p0 $0x13C00;
	[sflag:s19] =	ssyncadd.s32 $0xFFFFC180  }
0xb3: {  	[tilespmem:s25], [sflag:$0x3] =	stream.linear.gather @!p0 [hbm4b:s17+s4], $0x400, $0x38;
	[tilespmem:$0x1EC00] =	vst v63  }
0xb4: {  	_ = 	snop  }
0xb5: {  	[tilespmem:s26], [sflag:$0x2] =	stream.indirect.gather [hbm4b:s1+s24], $0x80, s8, s24, $0xb8;
	[tilespmem:$0x1EC00] =	vst v63  }
0xb6: {  	_ =	swait.ge [sflag:s28], $0x3E80  }
0xb7: {  	[sflag:s28] =	ssyncset.done $0x0  }
0xb8: {  	s25 =	sadd.s32 $0x14800, s12;
	[sflag:s28] =	ssyncadd.s32 $0xFFFFC180  }
0xb9: {  	[spmem:s3] =	stream.indirect.scatter.add.f32 [tilespmem:s18], [sflag:$0x5], $0x80, s25, s24, $0xb8;
	[tilespmem:$0x1EC00] =	vst v63  }
0xba: {  	_ =	swait.ge [sflag:s19], $0x3E80  }
0xbb: {  	[sflag:s19] =	ssyncset.done $0x0  }
0xbc: {  	[sflag:s19] =	ssyncadd.s32 $0xFFFFC180  }
0xbd: {  	[tilespmem:s18], [sflag:$0x1] =	stream.indirect.gather [hbm4b:s1+s24], $0x80, s9, s24, $0xb8;
	[tilespmem:$0x1EC00] =	vst v63  }
0xbe: {  	_ =	swait.ge [sflag:s30], $0x3E80  }
0xbf: {  	[sflag:s30] =	ssyncset.done $0x0  }
0xc0: {  	s25 =	sadd.s32 $0x14880, s12;
	[sflag:s30] =	ssyncadd.s32 $0xFFFFC180  }
0xc1: {  	[spmem:s3] =	stream.indirect.scatter.add.f32 [tilespmem:s26], [sflag:$0x5], $0x80, s25, s24, $0xb8;
	[tilespmem:$0x1EC00] =	vst v63  }
0xc2: {  	_ =	swait.ge [sflag:s19], $0x3E80  }
0xc3: {  	[sflag:s19] =	ssyncset.done $0x0  }
0xc4: {  	[sflag:s19] =	ssyncadd.s32 $0xFFFFC180  }
0xc5: {  	[tilespmem:s26], [sflag:$0x2] =	stream.indirect.gather [hbm4b:s1+s24], $0x80, s10, s24, $0xb8;
	[tilespmem:$0x1EC00] =	vst v63  }
0xc6: {  	_ =	swait.ge [sflag:s28], $0x3E80  }
0xc7: {  	[sflag:s28] =	ssyncset.done $0x0  }
0xc8: {  	s25 =	sadd.s32 $0x14900, s12;
	[sflag:s28] =	ssyncadd.s32 $0xFFFFC180  }
0xc9: {  	[spmem:s3] =	stream.indirect.scatter.add.f32 [tilespmem:s18], [sflag:$0x5], $0x80, s25, s24, $0xb8;
	[tilespmem:$0x1EC00] =	vst v63  }
0xca: {  	_ =	swait.ge [sflag:s19], $0x3E80  }
0xcb: {  	[sflag:s19] =	ssyncset.done $0x0  }
0xcc: {  	[sflag:s19] =	ssyncadd.s32 $0xFFFFC180  }
0xcd: {  	[tilespmem:s18], [sflag:$0x1] =	stream.indirect.gather [hbm4b:s1+s24], $0x80, s11, s24, $0xb8;
	[tilespmem:$0x1EC00] =	vst v63  }
0xce: {  	_ =	swait.ge [sflag:s30], $0x3E80  }
0xcf: {  	[sflag:s30] =	ssyncset.done $0x0  }
0xd0: {  	s25 =	sadd.s32 $0x14980, s12;
	[sflag:s30] =	ssyncadd.s32 $0xFFFFC180  }
0xd1: {  	[spmem:s3] =	stream.indirect.scatter.add.f32 [tilespmem:s26], [sflag:$0x5], $0x80, s25, s24, $0xb8;
	[tilespmem:$0x1EC00] =	vst v63  }
0xd2: {  	_ =	swait.ge [sflag:s19], $0x3E80  }
0xd3: {  	[sflag:s19] =	ssyncset.done $0x0  }
0xd4: {  	[sflag:s19] =	ssyncadd.s32 $0xFFFFC180  }
0xd5: {  	[tilespmem:s26], [sflag:$0x2] =	stream.indirect.gather [hbm4b:s1+s24], $0x80, s13, s24, $0xb8;
	[tilespmem:$0x1EC00] =	vst v63  }
0xd6: {  	_ =	swait.ge [sflag:s28], $0x3E80  }
0xd7: {  	[sflag:s28] =	ssyncset.done $0x0  }
0xd8: {  	s25 =	sadd.s32 $0x14A00, s12;
	[sflag:s28] =	ssyncadd.s32 $0xFFFFC180  }
0xd9: {  	[spmem:s3] =	stream.indirect.scatter.add.f32 [tilespmem:s18], [sflag:$0x5], $0x80, s25, s24, $0xb8;
	[tilespmem:$0x1EC00] =	vst v63  }
0xda: {  	_ =	swait.ge [sflag:s19], $0x3E80  }
0xdb: {  	[sflag:s19] =	ssyncset.done $0x0  }
0xdc: {  	[sflag:s19] =	ssyncadd.s32 $0xFFFFC180  }
0xdd: {  	[tilespmem:s18], [sflag:$0x1] =	stream.indirect.gather [hbm4b:s1+s24], $0x80, s14, s24, $0xb8;
	[tilespmem:$0x1EC00] =	vst v63  }
0xde: {  	_ =	swait.ge [sflag:s30], $0x3E80  }
0xdf: {  	[sflag:s30] =	ssyncset.done $0x0  }
0xe0: {  	s25 =	sadd.s32 $0x14A80, s12;
	[sflag:s30] =	ssyncadd.s32 $0xFFFFC180  }
0xe1: {  	[spmem:s3] =	stream.indirect.scatter.add.f32 [tilespmem:s26], [sflag:$0x5], $0x80, s25, s24, $0xb8;
	[tilespmem:$0x1EC00] =	vst v63  }
0xe2: {  	_ =	swait.ge [sflag:s19], $0x3E80  }
0xe3: {  	[sflag:s19] =	ssyncset.done $0x0  }
0xe4: {  	[sflag:s19] =	ssyncadd.s32 $0xFFFFC180  }
0xe5: {  	[tilespmem:s26], [sflag:$0x2] =	stream.indirect.gather [hbm4b:s1+s24], $0x80, s15, s24, $0xb8;
	[tilespmem:$0x1EC00] =	vst v63  }
0xe6: {  	_ =	swait.ge [sflag:s28], $0x3E80  }
0xe7: {  	[sflag:s28] =	ssyncset.done $0x0  }
.Ltmp3:
0xe8: {  	s25 =	sadd.s32 $0x14B00, s12;
	[sflag:s28] =	ssyncadd.s32 $0xFFFFC180;
	(pc) =	sbr.rel @p0 .LBB2_6-.Ltmp3, $4  }
0xe9: {  	[spmem:s3] =	stream.indirect.scatter.add.f32 [tilespmem:s18], [sflag:$0x5], $0x80, s25, s24, $0xb8;
	[tilespmem:$0x1EC00] =	vst v63  }
0xea: {  	_ =	swait.ge [sflag:s19], $0x3E80  }
0xeb: {  	[sflag:s19] =	ssyncset.done $0x0  }
0xec: {  	[sflag:s19] =	ssyncadd.s32 $0xFFFFC180  }
0xed: {  	_ =	swait.ge [sflag:s22], $0x400  }
0xee: {  	[sflag:s22] =	ssyncset.done $0x0  }
0xef: {  	[sflag:s22] =	ssyncadd.s32 $0xFFFFFC00  }
0xf0: {  	[tilespmem:s18], [sflag:$0x1] =	stream.indirect.gather [hbm4b:s1+s24], $0x80, s21, s24, $0xb8;
	[tilespmem:$0x1EC00] =	vst v63  }
0xf1: {  	_ =	swait.ge [sflag:s30], $0x3E80  }
0xf2: {  	[sflag:s30] =	ssyncset.done $0x0  }
0xf3: {  	s4 =	sadd.s32 $0x14B80, s12;
	[sflag:s30] =	ssyncadd.s32 $0xFFFFC180  }
0xf4: {  	[spmem:s3] =	stream.indirect.scatter.add.f32 [tilespmem:s26], [sflag:$0x5], $0x80, s4, s24, $0xb8;
	[tilespmem:$0x1EC00] =	vst v63  }
0xf5: {  	_ =	swait.ge [sflag:s19], $0x3E80  }
.Ltmp4:
0xf6: {  	[sflag:s19] =	ssyncset.done $0x0;
	(pc) =	sbr.rel .LBB2_4-.Ltmp4, $4  }
0xf7: {  	s12 =	simm.s32 $0x0;
	s25 =	simm.s32 $0x13C80;
	[sflag:s19] =	ssyncadd.s32 $0xFFFFC180  }
0xf8: {  	[tilespmem:s23], [sflag:$0x4] =	stream.linear.gather [hbm4b:s5+s12], $0x400, $0x38;
	[tilespmem:$0x1EC00] =	vst v63  }
0xf9: {  	s16 =	sadd.s32 $0x2000, s16;
	s17 =	sadd.s32 $0x100, s17;
	s5 =	sadd.s32 $0x100, s5  }
0xfa: {  	[tilespmem:s26], [sflag:$0x2] =	stream.indirect.gather [hbm4b:s1+s24], $0x80, s25, s24, $0xb8;
	[tilespmem:$0x1EC00] =	vst v63  }
.LBB2_7:
0xfb: {  	_ =	sfence.sel $0x180000  }
0xfc: {  	[bflag:$0x0] =	sbarrier.arrive $0xFFFF  }
0xfd: {  	_ =	strace $0x90000047  }
0xfe: {  	s0 =	stileid.u32;
	[bflag:$0x2] =	sbarrier.arrive $0xFFFF  }
0xff: {  	p0 =	sne.s32 s0, $0x0;
	s0 =	rddreg [dreg:$0x3]  }
0x100: {  	s0 =	sadd.s32 @!p0 $0x100000, s0  }
0x101: {  	[sflag:s0] =	ssyncadd.tile.s32 @!p0 $0x1;
	_ =	shalt  }
.Lfunc_end2:
_tile_overlayer_lowered:
.L_overlay_start_2:
0x102: {  	(tag) =	ssettag $0x2  }
0x103: {  	s0 =	rddreg [dreg:$0x0];
	s2 =	stileid.u32  }
0x104: {  	s1 =	rddreg [dreg:$0x1];
	p0 =	sne.s32 s2, $0x0  }
0x105: {  	s3 =	rddreg [dreg:$0x2];
	[bflag:$0x3] =	sbarrier.arrive $0xFFFF;
	s2 =	simm.s32 @!p0 $0x1C05  }
0x106: {  	[timem:s3], [sflag:s2] =	dma.local @!p0 [hbm:s0], s1  }
0x107: {  	s0 =	simm.s32 @!p0 $0x5  }
0x108: {  	_ =	swait.ge @!p0 [sflag:s0], s1  }
0x109: {  	s1 =	ssub.s32 @!p0 $0x0, s1;
	[sflag:s0] =	ssyncset.done @!p0 $0x0  }
0x10a: {  	[sflag:s0] =	ssyncadd.s32 @!p0 s1  }
0x10b: {  	[bflag:$0x3] =	sbarrier.arrive $0xFFFF  }
0x10c: {  	_ =	shalt  }

</sc_bundles>
